<compile_context>
chip_gen: v7x
topology: tpu7x:2x2x1
jax: 0.10.2.dev20260603
libtpu: 0.0.44.dev20260713+nightly
codegen_flags: <defaults>
</compile_context>

<pallas_src>
import functools

import jax
import jax.numpy as jnp
from jax import lax
from jax.experimental import pallas as pl
from jax.experimental.pallas import tpu as pltpu
from jax.experimental.pallas import tpu_sc as plsc

B = 4096
L = 50
H = 64
N = B * L
CHUNK = 128
NCHUNK = N // CHUNK
NC = 2
NS = 16
NW = NC * NS
CPW = NCHUNK // NW
IPW = N // NW
NBUF = 4


@functools.partial(
    pl.kernel,
    out_type=jax.ShapeDtypeStruct((N, 2 * H), jnp.float32),
    mesh=plsc.VectorSubcoreMesh(core_axis_name="c", subcore_axis_name="s"),
    compiler_params=pltpu.CompilerParams(use_tc_tiling_on_sc=False),
    scratch_types=[
        pltpu.VMEM((IPW,), jnp.int32),
        pltpu.VMEM((IPW,), jnp.int32),
        pltpu.VMEM((NBUF, CHUNK, H), jnp.float32),
        pltpu.VMEM((NBUF, CHUNK, H), jnp.float32),
        pltpu.SemaphoreType.DMA((NBUF,)),
        pltpu.SemaphoreType.DMA((NBUF,)),
    ],
)
def _emb_gather(form_idx_hbm, vice_idx_hbm, wform_hbm, wvice_hbm, out_hbm,
                fidx_v, vidx_v, frows, vrows, gsem, wsem):
    wid = lax.axis_index("s") * NC + lax.axis_index("c")
    base = wid * CPW
    pltpu.sync_copy(form_idx_hbm.at[pl.ds(wid * IPW, IPW)], fidx_v)
    pltpu.sync_copy(vice_idx_hbm.at[pl.ds(wid * IPW, IPW)], vidx_v)

    def fire_gather(v, b):
        pltpu.async_copy(wform_hbm.at[fidx_v.at[pl.ds(v * CHUNK, CHUNK)]],
                         frows.at[b], gsem.at[b])
        pltpu.async_copy(wvice_hbm.at[vidx_v.at[pl.ds(v * CHUNK, CHUNK)]],
                         vrows.at[b], gsem.at[b])

    def wait_gather(b):
        pltpu.make_async_copy(
            wform_hbm.at[pl.ds(0, CHUNK)], frows.at[b], gsem.at[b]).wait()
        pltpu.make_async_copy(
            wvice_hbm.at[pl.ds(0, CHUNK)], vrows.at[b], gsem.at[b]).wait()

    def fire_write(v, b):
        row0 = (base + v) * CHUNK
        pltpu.async_copy(frows.at[b],
                         out_hbm.at[pl.ds(row0, CHUNK), pl.ds(0, H)],
                         wsem.at[b])
        pltpu.async_copy(vrows.at[b],
                         out_hbm.at[pl.ds(row0, CHUNK), pl.ds(H, H)],
                         wsem.at[b])

    def wait_write(b):
        row0 = base * CHUNK
        pltpu.make_async_copy(
            frows.at[b], out_hbm.at[pl.ds(row0, CHUNK), pl.ds(0, H)],
            wsem.at[b]).wait()
        pltpu.make_async_copy(
            vrows.at[b], out_hbm.at[pl.ds(row0, CHUNK), pl.ds(H, H)],
            wsem.at[b]).wait()

    fire_gather(0, 0)
    fire_gather(1, 1)

    def body(i, carry):
        for b in range(NBUF):
            v = NBUF * i + b
            nb = (b + 2) % NBUF
            wait_gather(b)
            fire_write(v, b)

            @pl.when(v >= 2)
            def _():
                wait_write(nb)

            fire_gather(v + 2, nb)
        return carry

    lax.fori_loop(0, CPW // NBUF, body, 0)

    for v, b in ((CPW - 2, 0), (CPW - 1, 1)):
        wait_gather(b)
        fire_write(v, b)

    for b in range(NBUF):
        wait_write(b)


def kernel(form_idx, vice_idx, W_form, W_vice):
    fi = form_idx.astype(jnp.int32).T.reshape(N)
    vi = vice_idx.astype(jnp.int32).T.reshape(N)
    out = _emb_gather(fi, vi, W_form, W_vice)
    return out.reshape(L, B, 2 * H).transpose(1, 0, 2)

# --- scband reference (transcript-rebuilt; emitter-appended) ---
"""Pipeline reference for scband-emb-71768903517119 (READ-ONLY COPY).

The authoritative reference and input builder live on the scoring server;
editing this copy changes nothing except your own understanding.
"""

import jax, jax.numpy as jnp
import numpy as np

FORM_SIZE = 1000000
VICE_SIZE = 100000
HIDDEN = 64
B = 4096
L = 50

def _make_table(key, n, d):
    # Torch init: orthogonal_ then row-normalize. For large n >> d an orthogonal
    # init produces rows that are then normalized to unit norm; we reproduce the
    # math faithfully by generating a random table and normalizing rows to unit
    # norm (same forward semantics: unit-norm embedding rows).
    w = jax.random.normal(key, (n, d), dtype=jnp.float32)
    w = w / jnp.linalg.norm(w, axis=1, keepdims=True)
    return w

def setup_inputs(seed: int = 0) -> dict:
    key = jax.random.key(seed)
    k1, k2, k3, k4 = jax.random.split(key, 4)
    form_idx = jax.random.randint(k1, (B, L), 0, FORM_SIZE, dtype=jnp.int64) if jax.config.jax_enable_x64 else jax.random.randint(k1, (B, L), 0, FORM_SIZE).astype(jnp.int32)
    vice_idx = jax.random.randint(k2, (B, L), 0, VICE_SIZE).astype(form_idx.dtype)
    W_form = _make_table(k3, FORM_SIZE, HIDDEN)
    W_vice = _make_table(k4, VICE_SIZE, HIDDEN)
    return {"form_idx": form_idx, "vice_idx": vice_idx, "W_form": W_form, "W_vice": W_vice}

def reference(form_idx, vice_idx, W_form, W_vice):
    # EMB.encode(OBJ): two frozen embedding lookups (Invertible.encode = nn.Embedding)
    form_emb = jnp.take(W_form, form_idx, axis=0)   # [B, L, H]
    vice_emb = jnp.take(W_vice, vice_idx, axis=0)   # [B, L, H]
    # Return both fields of the OBJ as a single concatenated tensor [B, L, 2H]
    return jnp.concatenate([form_emb, vice_emb], axis=-1)

if __name__ == "__main__":
    import jax
    _d = setup_inputs()
    print(jax.jit(kernel)(*tuple(_d.values())))

</pallas_src>

<mosaic_0001>
#map = affine_map<(d0, d1) -> (0)>
#map1 = affine_map<(d0, d1) -> (0, 0)>
module attributes {stable_mosaic.version = 14 : i64} {
  func.func @_emb_gather(%arg0: i32, %arg1: i32, %arg2: memref<204800xi32, #tpu.memory_space<hbm>>, %arg3: memref<204800xi32, #tpu.memory_space<hbm>>, %arg4: memref<1000000x64xf32, #tpu.memory_space<hbm>>, %arg5: memref<100000x64xf32, #tpu.memory_space<hbm>>, %arg6: memref<204800x128xf32, #tpu.memory_space<hbm>>, %arg7: memref<6400xi32, #tpu.memory_space<vmem>>, %arg8: memref<6400xi32, #tpu.memory_space<vmem>>, %arg9: memref<4x128x64xf32, #tpu.memory_space<vmem>>, %arg10: memref<4x128x64xf32, #tpu.memory_space<vmem>>, %arg11: memref<4x!tpu.dma_semaphore, #tpu.memory_space<semaphore_mem>>, %arg12: memref<4x!tpu.dma_semaphore, #tpu.memory_space<semaphore_mem>>) attributes {dimension_semantics = [#tpu.dimension_semantics<core_parallel>, #tpu.dimension_semantics<subcore_parallel>], iteration_bounds = array<i64: 2, 16>, scalar_prefetch = 0 : i64, scratch_operands = 6 : i64, tpu.core_type = #tpu.core_type<sc_vector_subcore>, window_params = [{transform_indices = #map}, {transform_indices = #map}, {transform_indices = #map1}, {transform_indices = #map1}, {transform_indices = #map1}]} {
    %mul3A = arith.constant 2 : i32
    %mul3A_0 = arith.muli %arg1, %mul3A : i32
    %add3A = arith.addi %mul3A_0, %arg0 : i32
    %mul3A_1 = arith.constant 50 : i32
    %mul3A_2 = arith.muli %add3A, %mul3A_1 : i32
    %mul3A_3 = arith.constant 6400 : i32
    %mul3A_4 = arith.muli %add3A, %mul3A_3 : i32
    "tpu.region"() ({
      %run_scoped3A = tpu.sem_alloc : memref<!tpu.dma_semaphore, #tpu.memory_space<semaphore_mem>>
      %dma_start3A_342 = tpu.memref_slice %arg2[%mul3A_4] : memref<204800xi32, #tpu.memory_space<hbm>> -> memref<6400xi32, #tpu.memory_space<hbm>>
      %dma_start3A_343 = tpu.memref_slice %arg2[%mul3A_4] : memref<204800xi32, #tpu.memory_space<hbm>> -> memref<6400xi32, #tpu.memory_space<hbm>>
      tpu.enqueue_dma source(%dma_start3A_343 : memref<6400xi32, #tpu.memory_space<hbm>>) target(%arg7 : memref<6400xi32, #tpu.memory_space<vmem>>) target_semaphore(%run_scoped3A : memref<!tpu.dma_semaphore, #tpu.memory_space<semaphore_mem>>)
      %dma_wait3A_344 = tpu.memref_slice %arg2[%mul3A_4] : memref<204800xi32, #tpu.memory_space<hbm>> -> memref<6400xi32, #tpu.memory_space<hbm>>
      %dma_wait3A_345 = tpu.memref_slice %arg2[%mul3A_4] : memref<204800xi32, #tpu.memory_space<hbm>> -> memref<6400xi32, #tpu.memory_space<hbm>>
      tpu.wait_dma2 semaphore(%run_scoped3A : memref<!tpu.dma_semaphore, #tpu.memory_space<semaphore_mem>>) src(%dma_wait3A_345 : memref<6400xi32, #tpu.memory_space<hbm>>) dst(%arg7 : memref<6400xi32, #tpu.memory_space<vmem>>)
      tpu.yield
    }) : () -> ()
    %mul3A_5 = arith.constant 6400 : i32
    %mul3A_6 = arith.muli %add3A, %mul3A_5 : i32
    "tpu.region"() ({
      %run_scoped3A = tpu.sem_alloc : memref<!tpu.dma_semaphore, #tpu.memory_space<semaphore_mem>>
      %dma_start3A_342 = tpu.memref_slice %arg3[%mul3A_6] : memref<204800xi32, #tpu.memory_space<hbm>> -> memref<6400xi32, #tpu.memory_space<hbm>>
      %dma_start3A_343 = tpu.memref_slice %arg3[%mul3A_6] : memref<204800xi32, #tpu.memory_space<hbm>> -> memref<6400xi32, #tpu.memory_space<hbm>>
      tpu.enqueue_dma source(%dma_start3A_343 : memref<6400xi32, #tpu.memory_space<hbm>>) target(%arg8 : memref<6400xi32, #tpu.memory_space<vmem>>) target_semaphore(%run_scoped3A : memref<!tpu.dma_semaphore, #tpu.memory_space<semaphore_mem>>)
      %dma_wait3A_344 = tpu.memref_slice %arg3[%mul3A_6] : memref<204800xi32, #tpu.memory_space<hbm>> -> memref<6400xi32, #tpu.memory_space<hbm>>
      %dma_wait3A_345 = tpu.memref_slice %arg3[%mul3A_6] : memref<204800xi32, #tpu.memory_space<hbm>> -> memref<6400xi32, #tpu.memory_space<hbm>>
      tpu.wait_dma2 semaphore(%run_scoped3A : memref<!tpu.dma_semaphore, #tpu.memory_space<semaphore_mem>>) src(%dma_wait3A_345 : memref<6400xi32, #tpu.memory_space<hbm>>) dst(%arg8 : memref<6400xi32, #tpu.memory_space<vmem>>)
      tpu.yield
    }) : () -> ()
    %dma_start3A = arith.constant 0 : i32
    %dma_start3A_7 = arith.constant 0 : i32
    %dma_start3A_8 = arith.constant 0 : i32
    %dma_start3A_9 = arith.constant 0 : i32
    %dma_start3A_10 = tpu.memref_slice %arg9[%dma_start3A, %dma_start3A_8, %dma_start3A_9] : memref<4x128x64xf32, #tpu.memory_space<vmem>> -> memref<1x128x64xf32, #tpu.memory_space<vmem>>
    %dma_start3A_11 = tpu.memref_squeeze %dma_start3A_10 : memref<1x128x64xf32, #tpu.memory_space<vmem>> -> memref<128x64xf32, #tpu.memory_space<vmem>>
    %dma_start3A_12 = arith.constant 0 : i32
    %dma_start3A_13 = tpu.memref_slice %arg7[%dma_start3A_12] : memref<6400xi32, #tpu.memory_space<vmem>> -> memref<128xi32, #tpu.memory_space<vmem>>
    %dma_start3A_14 = arith.constant 0 : i32
    %dma_start3A_15 = arith.constant 0 : i32
    %dma_start3A_16 = tpu.memref_slice %arg4[%dma_start3A_14, %dma_start3A_15] : memref<1000000x64xf32, #tpu.memory_space<hbm>> -> memref<1000000x64xf32, #tpu.memory_space<hbm>>
    %dma_start3A_17 = tpu.memref_slice %arg11[%dma_start3A_7] : memref<4x!tpu.dma_semaphore, #tpu.memory_space<semaphore_mem>> -> memref<1x!tpu.dma_semaphore, #tpu.memory_space<semaphore_mem>>
    %dma_start3A_18 = tpu.memref_squeeze %dma_start3A_17 : memref<1x!tpu.dma_semaphore, #tpu.memory_space<semaphore_mem>> -> memref<!tpu.dma_semaphore, #tpu.memory_space<semaphore_mem>>
    tpu.enqueue_indirect_dma source(%dma_start3A_16 : memref<1000000x64xf32, #tpu.memory_space<hbm>>) target(%dma_start3A_11 : memref<128x64xf32, #tpu.memory_space<vmem>>) offsets(%dma_start3A_13 : memref<128xi32, #tpu.memory_space<vmem>>) semaphore(%dma_start3A_18 : memref<!tpu.dma_semaphore, #tpu.memory_space<semaphore_mem>>)
    %dma_start3A_19 = arith.constant 0 : i32
    %dma_start3A_20 = arith.constant 0 : i32
    %dma_start3A_21 = arith.constant 0 : i32
    %dma_start3A_22 = arith.constant 0 : i32
    %dma_start3A_23 = tpu.memref_slice %arg10[%dma_start3A_19, %dma_start3A_21, %dma_start3A_22] : memref<4x128x64xf32, #tpu.memory_space<vmem>> -> memref<1x128x64xf32, #tpu.memory_space<vmem>>
    %dma_start3A_24 = tpu.memref_squeeze %dma_start3A_23 : memref<1x128x64xf32, #tpu.memory_space<vmem>> -> memref<128x64xf32, #tpu.memory_space<vmem>>
    %dma_start3A_25 = arith.constant 0 : i32
    %dma_start3A_26 = tpu.memref_slice %arg8[%dma_start3A_25] : memref<6400xi32, #tpu.memory_space<vmem>> -> memref<128xi32, #tpu.memory_space<vmem>>
    %dma_start3A_27 = arith.constant 0 : i32
    %dma_start3A_28 = arith.constant 0 : i32
    %dma_start3A_29 = tpu.memref_slice %arg5[%dma_start3A_27, %dma_start3A_28] : memref<100000x64xf32, #tpu.memory_space<hbm>> -> memref<100000x64xf32, #tpu.memory_space<hbm>>
    %dma_start3A_30 = tpu.memref_slice %arg11[%dma_start3A_20] : memref<4x!tpu.dma_semaphore, #tpu.memory_space<semaphore_mem>> -> memref<1x!tpu.dma_semaphore, #tpu.memory_space<semaphore_mem>>
    %dma_start3A_31 = tpu.memref_squeeze %dma_start3A_30 : memref<1x!tpu.dma_semaphore, #tpu.memory_space<semaphore_mem>> -> memref<!tpu.dma_semaphore, #tpu.memory_space<semaphore_mem>>
    tpu.enqueue_indirect_dma source(%dma_start3A_29 : memref<100000x64xf32, #tpu.memory_space<hbm>>) target(%dma_start3A_24 : memref<128x64xf32, #tpu.memory_space<vmem>>) offsets(%dma_start3A_26 : memref<128xi32, #tpu.memory_space<vmem>>) semaphore(%dma_start3A_31 : memref<!tpu.dma_semaphore, #tpu.memory_space<semaphore_mem>>)
    %dma_start3A_32 = arith.constant 1 : i32
    %dma_start3A_33 = arith.constant 1 : i32
    %dma_start3A_34 = arith.constant 0 : i32
    %dma_start3A_35 = arith.constant 0 : i32
    %dma_start3A_36 = tpu.memref_slice %arg9[%dma_start3A_32, %dma_start3A_34, %dma_start3A_35] : memref<4x128x64xf32, #tpu.memory_space<vmem>> -> memref<1x128x64xf32, #tpu.memory_space<vmem>>
    %dma_start3A_37 = tpu.memref_squeeze %dma_start3A_36 : memref<1x128x64xf32, #tpu.memory_space<vmem>> -> memref<128x64xf32, #tpu.memory_space<vmem>>
    %dma_start3A_38 = arith.constant 128 : i32
    %dma_start3A_39 = tpu.memref_slice %arg7[%dma_start3A_38] : memref<6400xi32, #tpu.memory_space<vmem>> -> memref<128xi32, #tpu.memory_space<vmem>>
    %dma_start3A_40 = arith.constant 0 : i32
    %dma_start3A_41 = arith.constant 0 : i32
    %dma_start3A_42 = tpu.memref_slice %arg4[%dma_start3A_40, %dma_start3A_41] : memref<1000000x64xf32, #tpu.memory_space<hbm>> -> memref<1000000x64xf32, #tpu.memory_space<hbm>>
    %dma_start3A_43 = tpu.memref_slice %arg11[%dma_start3A_33] : memref<4x!tpu.dma_semaphore, #tpu.memory_space<semaphore_mem>> -> memref<1x!tpu.dma_semaphore, #tpu.memory_space<semaphore_mem>>
    %dma_start3A_44 = tpu.memref_squeeze %dma_start3A_43 : memref<1x!tpu.dma_semaphore, #tpu.memory_space<semaphore_mem>> -> memref<!tpu.dma_semaphore, #tpu.memory_space<semaphore_mem>>
    tpu.enqueue_indirect_dma source(%dma_start3A_42 : memref<1000000x64xf32, #tpu.memory_space<hbm>>) target(%dma_start3A_37 : memref<128x64xf32, #tpu.memory_space<vmem>>) offsets(%dma_start3A_39 : memref<128xi32, #tpu.memory_space<vmem>>) semaphore(%dma_start3A_44 : memref<!tpu.dma_semaphore, #tpu.memory_space<semaphore_mem>>)
    %dma_start3A_45 = arith.constant 1 : i32
    %dma_start3A_46 = arith.constant 1 : i32
    %dma_start3A_47 = arith.constant 0 : i32
    %dma_start3A_48 = arith.constant 0 : i32
    %dma_start3A_49 = tpu.memref_slice %arg10[%dma_start3A_45, %dma_start3A_47, %dma_start3A_48] : memref<4x128x64xf32, #tpu.memory_space<vmem>> -> memref<1x128x64xf32, #tpu.memory_space<vmem>>
    %dma_start3A_50 = tpu.memref_squeeze %dma_start3A_49 : memref<1x128x64xf32, #tpu.memory_space<vmem>> -> memref<128x64xf32, #tpu.memory_space<vmem>>
    %dma_start3A_51 = arith.constant 128 : i32
    %dma_start3A_52 = tpu.memref_slice %arg8[%dma_start3A_51] : memref<6400xi32, #tpu.memory_space<vmem>> -> memref<128xi32, #tpu.memory_space<vmem>>
    %dma_start3A_53 = arith.constant 0 : i32
    %dma_start3A_54 = arith.constant 0 : i32
    %dma_start3A_55 = tpu.memref_slice %arg5[%dma_start3A_53, %dma_start3A_54] : memref<100000x64xf32, #tpu.memory_space<hbm>> -> memref<100000x64xf32, #tpu.memory_space<hbm>>
    %dma_start3A_56 = tpu.memref_slice %arg11[%dma_start3A_46] : memref<4x!tpu.dma_semaphore, #tpu.memory_space<semaphore_mem>> -> memref<1x!tpu.dma_semaphore, #tpu.memory_space<semaphore_mem>>
    %dma_start3A_57 = tpu.memref_squeeze %dma_start3A_56 : memref<1x!tpu.dma_semaphore, #tpu.memory_space<semaphore_mem>> -> memref<!tpu.dma_semaphore, #tpu.memory_space<semaphore_mem>>
    tpu.enqueue_indirect_dma source(%dma_start3A_55 : memref<100000x64xf32, #tpu.memory_space<hbm>>) target(%dma_start3A_50 : memref<128x64xf32, #tpu.memory_space<vmem>>) offsets(%dma_start3A_52 : memref<128xi32, #tpu.memory_space<vmem>>) semaphore(%dma_start3A_57 : memref<!tpu.dma_semaphore, #tpu.memory_space<semaphore_mem>>)
    %scan3A = arith.constant 0 : i32
    %scan3A_58 = arith.constant 0 : i32
    %scan3A_59 = arith.constant 12 : i32
    %scan3A_60 = arith.addi %scan3A_58, %scan3A_59 : i32
    %scan3A_61 = arith.constant 1 : i32
    scf.for %scan3A_342 = %scan3A_58 to %scan3A_60 step %scan3A_61  : i32 {
      %mul3A_343 = arith.constant 4 : i32
      %mul3A_344 = arith.muli %mul3A_343, %scan3A_342 : i32
      %add3A_345 = arith.constant 0 : i32
      %add3A_346 = arith.addi %mul3A_344, %add3A_345 : i32
      %dma_wait3A_347 = arith.constant 0 : i32
      %dma_wait3A_348 = arith.constant 0 : i32
      %dma_wait3A_349 = arith.constant 0 : i32
      %dma_wait3A_350 = arith.constant 0 : i32
      %dma_wait3A_351 = tpu.memref_slice %arg9[%dma_wait3A_347, %dma_wait3A_349, %dma_wait3A_350] : memref<4x128x64xf32, #tpu.memory_space<vmem>> -> memref<1x128x64xf32, #tpu.memory_space<vmem>>
      %dma_wait3A_352 = tpu.memref_squeeze %dma_wait3A_351 : memref<1x128x64xf32, #tpu.memory_space<vmem>> -> memref<128x64xf32, #tpu.memory_space<vmem>>
      %dma_wait3A_353 = arith.constant 0 : i32
      %dma_wait3A_354 = arith.constant 0 : i32
      %dma_wait3A_355 = tpu.memref_slice %arg4[%dma_wait3A_353, %dma_wait3A_354] : memref<1000000x64xf32, #tpu.memory_space<hbm>> -> memref<128x64xf32, #tpu.memory_space<hbm>>
      %dma_wait3A_356 = tpu.memref_slice %arg11[%dma_wait3A_348] : memref<4x!tpu.dma_semaphore, #tpu.memory_space<semaphore_mem>> -> memref<1x!tpu.dma_semaphore, #tpu.memory_space<semaphore_mem>>
      %dma_wait3A_357 = tpu.memref_squeeze %dma_wait3A_356 : memref<1x!tpu.dma_semaphore, #tpu.memory_space<semaphore_mem>> -> memref<!tpu.dma_semaphore, #tpu.memory_space<semaphore_mem>>
      %dma_wait3A_358 = arith.constant 0 : i32
      %dma_wait3A_359 = arith.constant 0 : i32
      %dma_wait3A_360 = tpu.memref_slice %arg9[%dma_wait3A_347, %dma_wait3A_358, %dma_wait3A_359] : memref<4x128x64xf32, #tpu.memory_space<vmem>> -> memref<1x128x64xf32, #tpu.memory_space<vmem>>
      %dma_wait3A_361 = tpu.memref_squeeze %dma_wait3A_360 : memref<1x128x64xf32, #tpu.memory_space<vmem>> -> memref<128x64xf32, #tpu.memory_space<vmem>>
      %dma_wait3A_362 = arith.constant 0 : i32
      %dma_wait3A_363 = arith.constant 0 : i32
      %dma_wait3A_364 = tpu.memref_slice %arg4[%dma_wait3A_362, %dma_wait3A_363] : memref<1000000x64xf32, #tpu.memory_space<hbm>> -> memref<128x64xf32, #tpu.memory_space<hbm>>
      tpu.wait_dma2 semaphore(%dma_wait3A_357 : memref<!tpu.dma_semaphore, #tpu.memory_space<semaphore_mem>>) src(%dma_wait3A_364 : memref<128x64xf32, #tpu.memory_space<hbm>>) dst(%dma_wait3A_361 : memref<128x64xf32, #tpu.memory_space<vmem>>)
      %dma_wait3A_365 = arith.constant 0 : i32
      %dma_wait3A_366 = arith.constant 0 : i32
      %dma_wait3A_367 = arith.constant 0 : i32
      %dma_wait3A_368 = arith.constant 0 : i32
      %dma_wait3A_369 = tpu.memref_slice %arg10[%dma_wait3A_365, %dma_wait3A_367, %dma_wait3A_368] : memref<4x128x64xf32, #tpu.memory_space<vmem>> -> memref<1x128x64xf32, #tpu.memory_space<vmem>>
      %dma_wait3A_370 = tpu.memref_squeeze %dma_wait3A_369 : memref<1x128x64xf32, #tpu.memory_space<vmem>> -> memref<128x64xf32, #tpu.memory_space<vmem>>
      %dma_wait3A_371 = arith.constant 0 : i32
      %dma_wait3A_372 = arith.constant 0 : i32
      %dma_wait3A_373 = tpu.memref_slice %arg5[%dma_wait3A_371, %dma_wait3A_372] : memref<100000x64xf32, #tpu.memory_space<hbm>> -> memref<128x64xf32, #tpu.memory_space<hbm>>
      %dma_wait3A_374 = tpu.memref_slice %arg11[%dma_wait3A_366] : memref<4x!tpu.dma_semaphore, #tpu.memory_space<semaphore_mem>> -> memref<1x!tpu.dma_semaphore, #tpu.memory_space<semaphore_mem>>
      %dma_wait3A_375 = tpu.memref_squeeze %dma_wait3A_374 : memref<1x!tpu.dma_semaphore, #tpu.memory_space<semaphore_mem>> -> memref<!tpu.dma_semaphore, #tpu.memory_space<semaphore_mem>>
      %dma_wait3A_376 = arith.constant 0 : i32
      %dma_wait3A_377 = arith.constant 0 : i32
      %dma_wait3A_378 = tpu.memref_slice %arg10[%dma_wait3A_365, %dma_wait3A_376, %dma_wait3A_377] : memref<4x128x64xf32, #tpu.memory_space<vmem>> -> memref<1x128x64xf32, #tpu.memory_space<vmem>>
      %dma_wait3A_379 = tpu.memref_squeeze %dma_wait3A_378 : memref<1x128x64xf32, #tpu.memory_space<vmem>> -> memref<128x64xf32, #tpu.memory_space<vmem>>
      %dma_wait3A_380 = arith.constant 0 : i32
      %dma_wait3A_381 = arith.constant 0 : i32
      %dma_wait3A_382 = tpu.memref_slice %arg5[%dma_wait3A_380, %dma_wait3A_381] : memref<100000x64xf32, #tpu.memory_space<hbm>> -> memref<128x64xf32, #tpu.memory_space<hbm>>
      tpu.wait_dma2 semaphore(%dma_wait3A_375 : memref<!tpu.dma_semaphore, #tpu.memory_space<semaphore_mem>>) src(%dma_wait3A_382 : memref<128x64xf32, #tpu.memory_space<hbm>>) dst(%dma_wait3A_379 : memref<128x64xf32, #tpu.memory_space<vmem>>)
      %add3A_383 = arith.addi %mul3A_2, %add3A_346 : i32
      %mul3A_384 = arith.constant 128 : i32
      %mul3A_385 = arith.muli %add3A_383, %mul3A_384 : i32
      %dma_start3A_386 = arith.constant 0 : i32
      %dma_start3A_387 = arith.constant 0 : i32
      %dma_start3A_388 = arith.constant 0 : i32
      %dma_start3A_389 = arith.constant 0 : i32
      %dma_start3A_390 = tpu.memref_slice %arg9[%dma_start3A_386, %dma_start3A_388, %dma_start3A_389] : memref<4x128x64xf32, #tpu.memory_space<vmem>> -> memref<1x128x64xf32, #tpu.memory_space<vmem>>
      %dma_start3A_391 = tpu.memref_squeeze %dma_start3A_390 : memref<1x128x64xf32, #tpu.memory_space<vmem>> -> memref<128x64xf32, #tpu.memory_space<vmem>>
      %dma_start3A_392 = arith.constant 0 : i32
      %dma_start3A_393 = tpu.memref_slice %arg6[%mul3A_385, %dma_start3A_392] : memref<204800x128xf32, #tpu.memory_space<hbm>> -> memref<128x64xf32, #tpu.memory_space<hbm>>
      %dma_start3A_394 = tpu.memref_slice %arg12[%dma_start3A_387] : memref<4x!tpu.dma_semaphore, #tpu.memory_space<semaphore_mem>> -> memref<1x!tpu.dma_semaphore, #tpu.memory_space<semaphore_mem>>
      %dma_start3A_395 = tpu.memref_squeeze %dma_start3A_394 : memref<1x!tpu.dma_semaphore, #tpu.memory_space<semaphore_mem>> -> memref<!tpu.dma_semaphore, #tpu.memory_space<semaphore_mem>>
      %dma_start3A_396 = arith.constant 0 : i32
      %dma_start3A_397 = tpu.memref_slice %arg6[%mul3A_385, %dma_start3A_396] : memref<204800x128xf32, #tpu.memory_space<hbm>> -> memref<128x64xf32, #tpu.memory_space<hbm>>
      %dma_start3A_398 = arith.constant 0 : i32
      %dma_start3A_399 = arith.constant 0 : i32
      %dma_start3A_400 = tpu.memref_slice %arg9[%dma_start3A_386, %dma_start3A_398, %dma_start3A_399] : memref<4x128x64xf32, #tpu.memory_space<vmem>> -> memref<1x128x64xf32, #tpu.memory_space<vmem>>
      %dma_start3A_401 = tpu.memref_squeeze %dma_start3A_400 : memref<1x128x64xf32, #tpu.memory_space<vmem>> -> memref<128x64xf32, #tpu.memory_space<vmem>>
      tpu.enqueue_dma source(%dma_start3A_401 : memref<128x64xf32, #tpu.memory_space<vmem>>) target(%dma_start3A_397 : memref<128x64xf32, #tpu.memory_space<hbm>>) target_semaphore(%dma_start3A_395 : memref<!tpu.dma_semaphore, #tpu.memory_space<semaphore_mem>>)
      %dma_start3A_402 = arith.constant 0 : i32
      %dma_start3A_403 = arith.constant 0 : i32
      %dma_start3A_404 = arith.constant 0 : i32
      %dma_start3A_405 = arith.constant 0 : i32
      %dma_start3A_406 = tpu.memref_slice %arg10[%dma_start3A_402, %dma_start3A_404, %dma_start3A_405] : memref<4x128x64xf32, #tpu.memory_space<vmem>> -> memref<1x128x64xf32, #tpu.memory_space<vmem>>
      %dma_start3A_407 = tpu.memref_squeeze %dma_start3A_406 : memref<1x128x64xf32, #tpu.memory_space<vmem>> -> memref<128x64xf32, #tpu.memory_space<vmem>>
      %dma_start3A_408 = arith.constant 64 : i32
      %dma_start3A_409 = tpu.memref_slice %arg6[%mul3A_385, %dma_start3A_408] : memref<204800x128xf32, #tpu.memory_space<hbm>> -> memref<128x64xf32, #tpu.memory_space<hbm>>
      %dma_start3A_410 = tpu.memref_slice %arg12[%dma_start3A_403] : memref<4x!tpu.dma_semaphore, #tpu.memory_space<semaphore_mem>> -> memref<1x!tpu.dma_semaphore, #tpu.memory_space<semaphore_mem>>
      %dma_start3A_411 = tpu.memref_squeeze %dma_start3A_410 : memref<1x!tpu.dma_semaphore, #tpu.memory_space<semaphore_mem>> -> memref<!tpu.dma_semaphore, #tpu.memory_space<semaphore_mem>>
      %dma_start3A_412 = arith.constant 64 : i32
      %dma_start3A_413 = tpu.memref_slice %arg6[%mul3A_385, %dma_start3A_412] : memref<204800x128xf32, #tpu.memory_space<hbm>> -> memref<128x64xf32, #tpu.memory_space<hbm>>
      %dma_start3A_414 = arith.constant 0 : i32
      %dma_start3A_415 = arith.constant 0 : i32
      %dma_start3A_416 = tpu.memref_slice %arg10[%dma_start3A_402, %dma_start3A_414, %dma_start3A_415] : memref<4x128x64xf32, #tpu.memory_space<vmem>> -> memref<1x128x64xf32, #tpu.memory_space<vmem>>
      %dma_start3A_417 = tpu.memref_squeeze %dma_start3A_416 : memref<1x128x64xf32, #tpu.memory_space<vmem>> -> memref<128x64xf32, #tpu.memory_space<vmem>>
      tpu.enqueue_dma source(%dma_start3A_417 : memref<128x64xf32, #tpu.memory_space<vmem>>) target(%dma_start3A_413 : memref<128x64xf32, #tpu.memory_space<hbm>>) target_semaphore(%dma_start3A_411 : memref<!tpu.dma_semaphore, #tpu.memory_space<semaphore_mem>>)
      %ge3A = arith.constant 2 : i32
      %ge3A_418 = arith.cmpi sge, %add3A_346, %ge3A : i32
      %convert_element_type3A = arith.extui %ge3A_418 : i1 to i32
      %cond3A = arith.constant 0 : i32
      %cond3A_419 = arith.cmpi ne, %convert_element_type3A, %cond3A : i32
      scf.if %cond3A_419 {
        %mul3A_780 = arith.constant 128 : i32
        %mul3A_781 = arith.muli %mul3A_2, %mul3A_780 : i32
        %dma_wait3A_782 = arith.constant 2 : i32
        %dma_wait3A_783 = arith.constant 2 : i32
        %dma_wait3A_784 = arith.constant 0 : i32
        %dma_wait3A_785 = arith.constant 0 : i32
        %dma_wait3A_786 = tpu.memref_slice %arg9[%dma_wait3A_782, %dma_wait3A_784, %dma_wait3A_785] : memref<4x128x64xf32, #tpu.memory_space<vmem>> -> memref<1x128x64xf32, #tpu.memory_space<vmem>>
        %dma_wait3A_787 = tpu.memref_squeeze %dma_wait3A_786 : memref<1x128x64xf32, #tpu.memory_space<vmem>> -> memref<128x64xf32, #tpu.memory_space<vmem>>
        %dma_wait3A_788 = arith.constant 0 : i32
        %dma_wait3A_789 = tpu.memref_slice %arg6[%mul3A_781, %dma_wait3A_788] : memref<204800x128xf32, #tpu.memory_space<hbm>> -> memref<128x64xf32, #tpu.memory_space<hbm>>
        %dma_wait3A_790 = tpu.memref_slice %arg12[%dma_wait3A_783] : memref<4x!tpu.dma_semaphore, #tpu.memory_space<semaphore_mem>> -> memref<1x!tpu.dma_semaphore, #tpu.memory_space<semaphore_mem>>
        %dma_wait3A_791 = tpu.memref_squeeze %dma_wait3A_790 : memref<1x!tpu.dma_semaphore, #tpu.memory_space<semaphore_mem>> -> memref<!tpu.dma_semaphore, #tpu.memory_space<semaphore_mem>>
        %dma_wait3A_792 = arith.constant 0 : i32
        %dma_wait3A_793 = tpu.memref_slice %arg6[%mul3A_781, %dma_wait3A_792] : memref<204800x128xf32, #tpu.memory_space<hbm>> -> memref<128x64xf32, #tpu.memory_space<hbm>>
        %dma_wait3A_794 = arith.constant 0 : i32
        %dma_wait3A_795 = arith.constant 0 : i32
        %dma_wait3A_796 = tpu.memref_slice %arg9[%dma_wait3A_782, %dma_wait3A_794, %dma_wait3A_795] : memref<4x128x64xf32, #tpu.memory_space<vmem>> -> memref<1x128x64xf32, #tpu.memory_space<vmem>>
        %dma_wait3A_797 = tpu.memref_squeeze %dma_wait3A_796 : memref<1x128x64xf32, #tpu.memory_space<vmem>> -> memref<128x64xf32, #tpu.memory_space<vmem>>
        tpu.wait_dma2 semaphore(%dma_wait3A_791 : memref<!tpu.dma_semaphore, #tpu.memory_space<semaphore_mem>>) src(%dma_wait3A_797 : memref<128x64xf32, #tpu.memory_space<vmem>>) dst(%dma_wait3A_793 : memref<128x64xf32, #tpu.memory_space<hbm>>)
        %dma_wait3A_798 = arith.constant 2 : i32
        %dma_wait3A_799 = arith.constant 2 : i32
        %dma_wait3A_800 = arith.constant 0 : i32
        %dma_wait3A_801 = arith.constant 0 : i32
        %dma_wait3A_802 = tpu.memref_slice %arg10[%dma_wait3A_798, %dma_wait3A_800, %dma_wait3A_801] : memref<4x128x64xf32, #tpu.memory_space<vmem>> -> memref<1x128x64xf32, #tpu.memory_space<vmem>>
        %dma_wait3A_803 = tpu.memref_squeeze %dma_wait3A_802 : memref<1x128x64xf32, #tpu.memory_space<vmem>> -> memref<128x64xf32, #tpu.memory_space<vmem>>
        %dma_wait3A_804 = arith.constant 64 : i32
        %dma_wait3A_805 = tpu.memref_slice %arg6[%mul3A_781, %dma_wait3A_804] : memref<204800x128xf32, #tpu.memory_space<hbm>> -> memref<128x64xf32, #tpu.memory_space<hbm>>
        %dma_wait3A_806 = tpu.memref_slice %arg12[%dma_wait3A_799] : memref<4x!tpu.dma_semaphore, #tpu.memory_space<semaphore_mem>> -> memref<1x!tpu.dma_semaphore, #tpu.memory_space<semaphore_mem>>
        %dma_wait3A_807 = tpu.memref_squeeze %dma_wait3A_806 : memref<1x!tpu.dma_semaphore, #tpu.memory_space<semaphore_mem>> -> memref<!tpu.dma_semaphore, #tpu.memory_space<semaphore_mem>>
        %dma_wait3A_808 = arith.constant 64 : i32
        %dma_wait3A_809 = tpu.memref_slice %arg6[%mul3A_781, %dma_wait3A_808] : memref<204800x128xf32, #tpu.memory_space<hbm>> -> memref<128x64xf32, #tpu.memory_space<hbm>>
        %dma_wait3A_810 = arith.constant 0 : i32
        %dma_wait3A_811 = arith.constant 0 : i32
        %dma_wait3A_812 = tpu.memref_slice %arg10[%dma_wait3A_798, %dma_wait3A_810, %dma_wait3A_811] : memref<4x128x64xf32, #tpu.memory_space<vmem>> -> memref<1x128x64xf32, #tpu.memory_space<vmem>>
        %dma_wait3A_813 = tpu.memref_squeeze %dma_wait3A_812 : memref<1x128x64xf32, #tpu.memory_space<vmem>> -> memref<128x64xf32, #tpu.memory_space<vmem>>
        tpu.wait_dma2 semaphore(%dma_wait3A_807 : memref<!tpu.dma_semaphore, #tpu.memory_space<semaphore_mem>>) src(%dma_wait3A_813 : memref<128x64xf32, #tpu.memory_space<vmem>>) dst(%dma_wait3A_809 : memref<128x64xf32, #tpu.memory_space<hbm>>)
      } else {
      }
      %add3A_420 = arith.constant 2 : i32
      %add3A_421 = arith.addi %add3A_346, %add3A_420 : i32
      %mul3A_422 = arith.constant 128 : i32
      %mul3A_423 = arith.muli %add3A_421, %mul3A_422 : i32
      %dma_start3A_424 = arith.constant 2 : i32
      %dma_start3A_425 = arith.constant 2 : i32
      %dma_start3A_426 = arith.constant 0 : i32
      %dma_start3A_427 = arith.constant 0 : i32
      %dma_start3A_428 = tpu.memref_slice %arg9[%dma_start3A_424, %dma_start3A_426, %dma_start3A_427] : memref<4x128x64xf32, #tpu.memory_space<vmem>> -> memref<1x128x64xf32, #tpu.memory_space<vmem>>
      %dma_start3A_429 = tpu.memref_squeeze %dma_start3A_428 : memref<1x128x64xf32, #tpu.memory_space<vmem>> -> memref<128x64xf32, #tpu.memory_space<vmem>>
      %dma_start3A_430 = tpu.memref_slice %arg7[%mul3A_423] : memref<6400xi32, #tpu.memory_space<vmem>> -> memref<128xi32, #tpu.memory_space<vmem>>
      %dma_start3A_431 = arith.constant 0 : i32
      %dma_start3A_432 = arith.constant 0 : i32
      %dma_start3A_433 = tpu.memref_slice %arg4[%dma_start3A_431, %dma_start3A_432] : memref<1000000x64xf32, #tpu.memory_space<hbm>> -> memref<1000000x64xf32, #tpu.memory_space<hbm>>
      %dma_start3A_434 = tpu.memref_slice %arg11[%dma_start3A_425] : memref<4x!tpu.dma_semaphore, #tpu.memory_space<semaphore_mem>> -> memref<1x!tpu.dma_semaphore, #tpu.memory_space<semaphore_mem>>
      %dma_start3A_435 = tpu.memref_squeeze %dma_start3A_434 : memref<1x!tpu.dma_semaphore, #tpu.memory_space<semaphore_mem>> -> memref<!tpu.dma_semaphore, #tpu.memory_space<semaphore_mem>>
      tpu.enqueue_indirect_dma source(%dma_start3A_433 : memref<1000000x64xf32, #tpu.memory_space<hbm>>) target(%dma_start3A_429 : memref<128x64xf32, #tpu.memory_space<vmem>>) offsets(%dma_start3A_430 : memref<128xi32, #tpu.memory_space<vmem>>) semaphore(%dma_start3A_435 : memref<!tpu.dma_semaphore, #tpu.memory_space<semaphore_mem>>)
      %mul3A_436 = arith.constant 128 : i32
      %mul3A_437 = arith.muli %add3A_421, %mul3A_436 : i32
      %dma_start3A_438 = arith.constant 2 : i32
      %dma_start3A_439 = arith.constant 2 : i32
      %dma_start3A_440 = arith.constant 0 : i32
      %dma_start3A_441 = arith.constant 0 : i32
      %dma_start3A_442 = tpu.memref_slice %arg10[%dma_start3A_438, %dma_start3A_440, %dma_start3A_441] : memref<4x128x64xf32, #tpu.memory_space<vmem>> -> memref<1x128x64xf32, #tpu.memory_space<vmem>>
      %dma_start3A_443 = tpu.memref_squeeze %dma_start3A_442 : memref<1x128x64xf32, #tpu.memory_space<vmem>> -> memref<128x64xf32, #tpu.memory_space<vmem>>
      %dma_start3A_444 = tpu.memref_slice %arg8[%mul3A_437] : memref<6400xi32, #tpu.memory_space<vmem>> -> memref<128xi32, #tpu.memory_space<vmem>>
      %dma_start3A_445 = arith.constant 0 : i32
      %dma_start3A_446 = arith.constant 0 : i32
      %dma_start3A_447 = tpu.memref_slice %arg5[%dma_start3A_445, %dma_start3A_446] : memref<100000x64xf32, #tpu.memory_space<hbm>> -> memref<100000x64xf32, #tpu.memory_space<hbm>>
      %dma_start3A_448 = tpu.memref_slice %arg11[%dma_start3A_439] : memref<4x!tpu.dma_semaphore, #tpu.memory_space<semaphore_mem>> -> memref<1x!tpu.dma_semaphore, #tpu.memory_space<semaphore_mem>>
      %dma_start3A_449 = tpu.memref_squeeze %dma_start3A_448 : memref<1x!tpu.dma_semaphore, #tpu.memory_space<semaphore_mem>> -> memref<!tpu.dma_semaphore, #tpu.memory_space<semaphore_mem>>
      tpu.enqueue_indirect_dma source(%dma_start3A_447 : memref<100000x64xf32, #tpu.memory_space<hbm>>) target(%dma_start3A_443 : memref<128x64xf32, #tpu.memory_space<vmem>>) offsets(%dma_start3A_444 : memref<128xi32, #tpu.memory_space<vmem>>) semaphore(%dma_start3A_449 : memref<!tpu.dma_semaphore, #tpu.memory_space<semaphore_mem>>)
      %mul3A_450 = arith.constant 4 : i32
      %mul3A_451 = arith.muli %mul3A_450, %scan3A_342 : i32
      %add3A_452 = arith.constant 1 : i32
      %add3A_453 = arith.addi %mul3A_451, %add3A_452 : i32
      %dma_wait3A_454 = arith.constant 1 : i32
      %dma_wait3A_455 = arith.constant 1 : i32
      %dma_wait3A_456 = arith.constant 0 : i32
      %dma_wait3A_457 = arith.constant 0 : i32
      %dma_wait3A_458 = tpu.memref_slice %arg9[%dma_wait3A_454, %dma_wait3A_456, %dma_wait3A_457] : memref<4x128x64xf32, #tpu.memory_space<vmem>> -> memref<1x128x64xf32, #tpu.memory_space<vmem>>
      %dma_wait3A_459 = tpu.memref_squeeze %dma_wait3A_458 : memref<1x128x64xf32, #tpu.memory_space<vmem>> -> memref<128x64xf32, #tpu.memory_space<vmem>>
      %dma_wait3A_460 = arith.constant 0 : i32
      %dma_wait3A_461 = arith.constant 0 : i32
      %dma_wait3A_462 = tpu.memref_slice %arg4[%dma_wait3A_460, %dma_wait3A_461] : memref<1000000x64xf32, #tpu.memory_space<hbm>> -> memref<128x64xf32, #tpu.memory_space<hbm>>
      %dma_wait3A_463 = tpu.memref_slice %arg11[%dma_wait3A_455] : memref<4x!tpu.dma_semaphore, #tpu.memory_space<semaphore_mem>> -> memref<1x!tpu.dma_semaphore, #tpu.memory_space<semaphore_mem>>
      %dma_wait3A_464 = tpu.memref_squeeze %dma_wait3A_463 : memref<1x!tpu.dma_semaphore, #tpu.memory_space<semaphore_mem>> -> memref<!tpu.dma_semaphore, #tpu.memory_space<semaphore_mem>>
      %dma_wait3A_465 = arith.constant 0 : i32
      %dma_wait3A_466 = arith.constant 0 : i32
      %dma_wait3A_467 = tpu.memref_slice %arg9[%dma_wait3A_454, %dma_wait3A_465, %dma_wait3A_466] : memref<4x128x64xf32, #tpu.memory_space<vmem>> -> memref<1x128x64xf32, #tpu.memory_space<vmem>>
      %dma_wait3A_468 = tpu.memref_squeeze %dma_wait3A_467 : memref<1x128x64xf32, #tpu.memory_space<vmem>> -> memref<128x64xf32, #tpu.memory_space<vmem>>
      %dma_wait3A_469 = arith.constant 0 : i32
      %dma_wait3A_470 = arith.constant 0 : i32
      %dma_wait3A_471 = tpu.memref_slice %arg4[%dma_wait3A_469, %dma_wait3A_470] : memref<1000000x64xf32, #tpu.memory_space<hbm>> -> memref<128x64xf32, #tpu.memory_space<hbm>>
      tpu.wait_dma2 semaphore(%dma_wait3A_464 : memref<!tpu.dma_semaphore, #tpu.memory_space<semaphore_mem>>) src(%dma_wait3A_471 : memref<128x64xf32, #tpu.memory_space<hbm>>) dst(%dma_wait3A_468 : memref<128x64xf32, #tpu.memory_space<vmem>>)
      %dma_wait3A_472 = arith.constant 1 : i32
      %dma_wait3A_473 = arith.constant 1 : i32
      %dma_wait3A_474 = arith.constant 0 : i32
      %dma_wait3A_475 = arith.constant 0 : i32
      %dma_wait3A_476 = tpu.memref_slice %arg10[%dma_wait3A_472, %dma_wait3A_474, %dma_wait3A_475] : memref<4x128x64xf32, #tpu.memory_space<vmem>> -> memref<1x128x64xf32, #tpu.memory_space<vmem>>
      %dma_wait3A_477 = tpu.memref_squeeze %dma_wait3A_476 : memref<1x128x64xf32, #tpu.memory_space<vmem>> -> memref<128x64xf32, #tpu.memory_space<vmem>>
      %dma_wait3A_478 = arith.constant 0 : i32
      %dma_wait3A_479 = arith.constant 0 : i32
      %dma_wait3A_480 = tpu.memref_slice %arg5[%dma_wait3A_478, %dma_wait3A_479] : memref<100000x64xf32, #tpu.memory_space<hbm>> -> memref<128x64xf32, #tpu.memory_space<hbm>>
      %dma_wait3A_481 = tpu.memref_slice %arg11[%dma_wait3A_473] : memref<4x!tpu.dma_semaphore, #tpu.memory_space<semaphore_mem>> -> memref<1x!tpu.dma_semaphore, #tpu.memory_space<semaphore_mem>>
      %dma_wait3A_482 = tpu.memref_squeeze %dma_wait3A_481 : memref<1x!tpu.dma_semaphore, #tpu.memory_space<semaphore_mem>> -> memref<!tpu.dma_semaphore, #tpu.memory_space<semaphore_mem>>
      %dma_wait3A_483 = arith.constant 0 : i32
      %dma_wait3A_484 = arith.constant 0 : i32
      %dma_wait3A_485 = tpu.memref_slice %arg10[%dma_wait3A_472, %dma_wait3A_483, %dma_wait3A_484] : memref<4x128x64xf32, #tpu.memory_space<vmem>> -> memref<1x128x64xf32, #tpu.memory_space<vmem>>
      %dma_wait3A_486 = tpu.memref_squeeze %dma_wait3A_485 : memref<1x128x64xf32, #tpu.memory_space<vmem>> -> memref<128x64xf32, #tpu.memory_space<vmem>>
      %dma_wait3A_487 = arith.constant 0 : i32
      %dma_wait3A_488 = arith.constant 0 : i32
      %dma_wait3A_489 = tpu.memref_slice %arg5[%dma_wait3A_487, %dma_wait3A_488] : memref<100000x64xf32, #tpu.memory_space<hbm>> -> memref<128x64xf32, #tpu.memory_space<hbm>>
      tpu.wait_dma2 semaphore(%dma_wait3A_482 : memref<!tpu.dma_semaphore, #tpu.memory_space<semaphore_mem>>) src(%dma_wait3A_489 : memref<128x64xf32, #tpu.memory_space<hbm>>) dst(%dma_wait3A_486 : memref<128x64xf32, #tpu.memory_space<vmem>>)
      %add3A_490 = arith.addi %mul3A_2, %add3A_453 : i32
      %mul3A_491 = arith.constant 128 : i32
      %mul3A_492 = arith.muli %add3A_490, %mul3A_491 : i32
      %dma_start3A_493 = arith.constant 1 : i32
      %dma_start3A_494 = arith.constant 1 : i32
      %dma_start3A_495 = arith.constant 0 : i32
      %dma_start3A_496 = arith.constant 0 : i32
      %dma_start3A_497 = tpu.memref_slice %arg9[%dma_start3A_493, %dma_start3A_495, %dma_start3A_496] : memref<4x128x64xf32, #tpu.memory_space<vmem>> -> memref<1x128x64xf32, #tpu.memory_space<vmem>>
      %dma_start3A_498 = tpu.memref_squeeze %dma_start3A_497 : memref<1x128x64xf32, #tpu.memory_space<vmem>> -> memref<128x64xf32, #tpu.memory_space<vmem>>
      %dma_start3A_499 = arith.constant 0 : i32
      %dma_start3A_500 = tpu.memref_slice %arg6[%mul3A_492, %dma_start3A_499] : memref<204800x128xf32, #tpu.memory_space<hbm>> -> memref<128x64xf32, #tpu.memory_space<hbm>>
      %dma_start3A_501 = tpu.memref_slice %arg12[%dma_start3A_494] : memref<4x!tpu.dma_semaphore, #tpu.memory_space<semaphore_mem>> -> memref<1x!tpu.dma_semaphore, #tpu.memory_space<semaphore_mem>>
      %dma_start3A_502 = tpu.memref_squeeze %dma_start3A_501 : memref<1x!tpu.dma_semaphore, #tpu.memory_space<semaphore_mem>> -> memref<!tpu.dma_semaphore, #tpu.memory_space<semaphore_mem>>
      %dma_start3A_503 = arith.constant 0 : i32
      %dma_start3A_504 = tpu.memref_slice %arg6[%mul3A_492, %dma_start3A_503] : memref<204800x128xf32, #tpu.memory_space<hbm>> -> memref<128x64xf32, #tpu.memory_space<hbm>>
      %dma_start3A_505 = arith.constant 0 : i32
      %dma_start3A_506 = arith.constant 0 : i32
      %dma_start3A_507 = tpu.memref_slice %arg9[%dma_start3A_493, %dma_start3A_505, %dma_start3A_506] : memref<4x128x64xf32, #tpu.memory_space<vmem>> -> memref<1x128x64xf32, #tpu.memory_space<vmem>>
      %dma_start3A_508 = tpu.memref_squeeze %dma_start3A_507 : memref<1x128x64xf32, #tpu.memory_space<vmem>> -> memref<128x64xf32, #tpu.memory_space<vmem>>
      tpu.enqueue_dma source(%dma_start3A_508 : memref<128x64xf32, #tpu.memory_space<vmem>>) target(%dma_start3A_504 : memref<128x64xf32, #tpu.memory_space<hbm>>) target_semaphore(%dma_start3A_502 : memref<!tpu.dma_semaphore, #tpu.memory_space<semaphore_mem>>)
      %dma_start3A_509 = arith.constant 1 : i32
      %dma_start3A_510 = arith.constant 1 : i32
      %dma_start3A_511 = arith.constant 0 : i32
      %dma_start3A_512 = arith.constant 0 : i32
      %dma_start3A_513 = tpu.memref_slice %arg10[%dma_start3A_509, %dma_start3A_511, %dma_start3A_512] : memref<4x128x64xf32, #tpu.memory_space<vmem>> -> memref<1x128x64xf32, #tpu.memory_space<vmem>>
      %dma_start3A_514 = tpu.memref_squeeze %dma_start3A_513 : memref<1x128x64xf32, #tpu.memory_space<vmem>> -> memref<128x64xf32, #tpu.memory_space<vmem>>
      %dma_start3A_515 = arith.constant 64 : i32
      %dma_start3A_516 = tpu.memref_slice %arg6[%mul3A_492, %dma_start3A_515] : memref<204800x128xf32, #tpu.memory_space<hbm>> -> memref<128x64xf32, #tpu.memory_space<hbm>>
      %dma_start3A_517 = tpu.memref_slice %arg12[%dma_start3A_510] : memref<4x!tpu.dma_semaphore, #tpu.memory_space<semaphore_mem>> -> memref<1x!tpu.dma_semaphore, #tpu.memory_space<semaphore_mem>>
      %dma_start3A_518 = tpu.memref_squeeze %dma_start3A_517 : memref<1x!tpu.dma_semaphore, #tpu.memory_space<semaphore_mem>> -> memref<!tpu.dma_semaphore, #tpu.memory_space<semaphore_mem>>
      %dma_start3A_519 = arith.constant 64 : i32
      %dma_start3A_520 = tpu.memref_slice %arg6[%mul3A_492, %dma_start3A_519] : memref<204800x128xf32, #tpu.memory_space<hbm>> -> memref<128x64xf32, #tpu.memory_space<hbm>>
      %dma_start3A_521 = arith.constant 0 : i32
      %dma_start3A_522 = arith.constant 0 : i32
      %dma_start3A_523 = tpu.memref_slice %arg10[%dma_start3A_509, %dma_start3A_521, %dma_start3A_522] : memref<4x128x64xf32, #tpu.memory_space<vmem>> -> memref<1x128x64xf32, #tpu.memory_space<vmem>>
      %dma_start3A_524 = tpu.memref_squeeze %dma_start3A_523 : memref<1x128x64xf32, #tpu.memory_space<vmem>> -> memref<128x64xf32, #tpu.memory_space<vmem>>
      tpu.enqueue_dma source(%dma_start3A_524 : memref<128x64xf32, #tpu.memory_space<vmem>>) target(%dma_start3A_520 : memref<128x64xf32, #tpu.memory_space<hbm>>) target_semaphore(%dma_start3A_518 : memref<!tpu.dma_semaphore, #tpu.memory_space<semaphore_mem>>)
      %ge3A_525 = arith.constant 2 : i32
      %ge3A_526 = arith.cmpi sge, %add3A_453, %ge3A_525 : i32
      %convert_element_type3A_527 = arith.extui %ge3A_526 : i1 to i32
      %cond3A_528 = arith.constant 0 : i32
      %cond3A_529 = arith.cmpi ne, %convert_element_type3A_527, %cond3A_528 : i32
      scf.if %cond3A_529 {
        %mul3A_780 = arith.constant 128 : i32
        %mul3A_781 = arith.muli %mul3A_2, %mul3A_780 : i32
        %dma_wait3A_782 = arith.constant 3 : i32
        %dma_wait3A_783 = arith.constant 3 : i32
        %dma_wait3A_784 = arith.constant 0 : i32
        %dma_wait3A_785 = arith.constant 0 : i32
        %dma_wait3A_786 = tpu.memref_slice %arg9[%dma_wait3A_782, %dma_wait3A_784, %dma_wait3A_785] : memref<4x128x64xf32, #tpu.memory_space<vmem>> -> memref<1x128x64xf32, #tpu.memory_space<vmem>>
        %dma_wait3A_787 = tpu.memref_squeeze %dma_wait3A_786 : memref<1x128x64xf32, #tpu.memory_space<vmem>> -> memref<128x64xf32, #tpu.memory_space<vmem>>
        %dma_wait3A_788 = arith.constant 0 : i32
        %dma_wait3A_789 = tpu.memref_slice %arg6[%mul3A_781, %dma_wait3A_788] : memref<204800x128xf32, #tpu.memory_space<hbm>> -> memref<128x64xf32, #tpu.memory_space<hbm>>
        %dma_wait3A_790 = tpu.memref_slice %arg12[%dma_wait3A_783] : memref<4x!tpu.dma_semaphore, #tpu.memory_space<semaphore_mem>> -> memref<1x!tpu.dma_semaphore, #tpu.memory_space<semaphore_mem>>
        %dma_wait3A_791 = tpu.memref_squeeze %dma_wait3A_790 : memref<1x!tpu.dma_semaphore, #tpu.memory_space<semaphore_mem>> -> memref<!tpu.dma_semaphore, #tpu.memory_space<semaphore_mem>>
        %dma_wait3A_792 = arith.constant 0 : i32
        %dma_wait3A_793 = tpu.memref_slice %arg6[%mul3A_781, %dma_wait3A_792] : memref<204800x128xf32, #tpu.memory_space<hbm>> -> memref<128x64xf32, #tpu.memory_space<hbm>>
        %dma_wait3A_794 = arith.constant 0 : i32
        %dma_wait3A_795 = arith.constant 0 : i32
        %dma_wait3A_796 = tpu.memref_slice %arg9[%dma_wait3A_782, %dma_wait3A_794, %dma_wait3A_795] : memref<4x128x64xf32, #tpu.memory_space<vmem>> -> memref<1x128x64xf32, #tpu.memory_space<vmem>>
        %dma_wait3A_797 = tpu.memref_squeeze %dma_wait3A_796 : memref<1x128x64xf32, #tpu.memory_space<vmem>> -> memref<128x64xf32, #tpu.memory_space<vmem>>
        tpu.wait_dma2 semaphore(%dma_wait3A_791 : memref<!tpu.dma_semaphore, #tpu.memory_space<semaphore_mem>>) src(%dma_wait3A_797 : memref<128x64xf32, #tpu.memory_space<vmem>>) dst(%dma_wait3A_793 : memref<128x64xf32, #tpu.memory_space<hbm>>)
        %dma_wait3A_798 = arith.constant 3 : i32
        %dma_wait3A_799 = arith.constant 3 : i32
        %dma_wait3A_800 = arith.constant 0 : i32
        %dma_wait3A_801 = arith.constant 0 : i32
        %dma_wait3A_802 = tpu.memref_slice %arg10[%dma_wait3A_798, %dma_wait3A_800, %dma_wait3A_801] : memref<4x128x64xf32, #tpu.memory_space<vmem>> -> memref<1x128x64xf32, #tpu.memory_space<vmem>>
        %dma_wait3A_803 = tpu.memref_squeeze %dma_wait3A_802 : memref<1x128x64xf32, #tpu.memory_space<vmem>> -> memref<128x64xf32, #tpu.memory_space<vmem>>
        %dma_wait3A_804 = arith.constant 64 : i32
        %dma_wait3A_805 = tpu.memref_slice %arg6[%mul3A_781, %dma_wait3A_804] : memref<204800x128xf32, #tpu.memory_space<hbm>> -> memref<128x64xf32, #tpu.memory_space<hbm>>
        %dma_wait3A_806 = tpu.memref_slice %arg12[%dma_wait3A_799] : memref<4x!tpu.dma_semaphore, #tpu.memory_space<semaphore_mem>> -> memref<1x!tpu.dma_semaphore, #tpu.memory_space<semaphore_mem>>
        %dma_wait3A_807 = tpu.memref_squeeze %dma_wait3A_806 : memref<1x!tpu.dma_semaphore, #tpu.memory_space<semaphore_mem>> -> memref<!tpu.dma_semaphore, #tpu.memory_space<semaphore_mem>>
        %dma_wait3A_808 = arith.constant 64 : i32
        %dma_wait3A_809 = tpu.memref_slice %arg6[%mul3A_781, %dma_wait3A_808] : memref<204800x128xf32, #tpu.memory_space<hbm>> -> memref<128x64xf32, #tpu.memory_space<hbm>>
        %dma_wait3A_810 = arith.constant 0 : i32
        %dma_wait3A_811 = arith.constant 0 : i32
        %dma_wait3A_812 = tpu.memref_slice %arg10[%dma_wait3A_798, %dma_wait3A_810, %dma_wait3A_811] : memref<4x128x64xf32, #tpu.memory_space<vmem>> -> memref<1x128x64xf32, #tpu.memory_space<vmem>>
        %dma_wait3A_813 = tpu.memref_squeeze %dma_wait3A_812 : memref<1x128x64xf32, #tpu.memory_space<vmem>> -> memref<128x64xf32, #tpu.memory_space<vmem>>
        tpu.wait_dma2 semaphore(%dma_wait3A_807 : memref<!tpu.dma_semaphore, #tpu.memory_space<semaphore_mem>>) src(%dma_wait3A_813 : memref<128x64xf32, #tpu.memory_space<vmem>>) dst(%dma_wait3A_809 : memref<128x64xf32, #tpu.memory_space<hbm>>)
      } else {
      }
      %add3A_530 = arith.constant 2 : i32
      %add3A_531 = arith.addi %add3A_453, %add3A_530 : i32
      %mul3A_532 = arith.constant 128 : i32
      %mul3A_533 = arith.muli %add3A_531, %mul3A_532 : i32
      %dma_start3A_534 = arith.constant 3 : i32
      %dma_start3A_535 = arith.constant 3 : i32
      %dma_start3A_536 = arith.constant 0 : i32
      %dma_start3A_537 = arith.constant 0 : i32
      %dma_start3A_538 = tpu.memref_slice %arg9[%dma_start3A_534, %dma_start3A_536, %dma_start3A_537] : memref<4x128x64xf32, #tpu.memory_space<vmem>> -> memref<1x128x64xf32, #tpu.memory_space<vmem>>
      %dma_start3A_539 = tpu.memref_squeeze %dma_start3A_538 : memref<1x128x64xf32, #tpu.memory_space<vmem>> -> memref<128x64xf32, #tpu.memory_space<vmem>>
      %dma_start3A_540 = tpu.memref_slice %arg7[%mul3A_533] : memref<6400xi32, #tpu.memory_space<vmem>> -> memref<128xi32, #tpu.memory_space<vmem>>
      %dma_start3A_541 = arith.constant 0 : i32
      %dma_start3A_542 = arith.constant 0 : i32
      %dma_start3A_543 = tpu.memref_slice %arg4[%dma_start3A_541, %dma_start3A_542] : memref<1000000x64xf32, #tpu.memory_space<hbm>> -> memref<1000000x64xf32, #tpu.memory_space<hbm>>
      %dma_start3A_544 = tpu.memref_slice %arg11[%dma_start3A_535] : memref<4x!tpu.dma_semaphore, #tpu.memory_space<semaphore_mem>> -> memref<1x!tpu.dma_semaphore, #tpu.memory_space<semaphore_mem>>
      %dma_start3A_545 = tpu.memref_squeeze %dma_start3A_544 : memref<1x!tpu.dma_semaphore, #tpu.memory_space<semaphore_mem>> -> memref<!tpu.dma_semaphore, #tpu.memory_space<semaphore_mem>>
      tpu.enqueue_indirect_dma source(%dma_start3A_543 : memref<1000000x64xf32, #tpu.memory_space<hbm>>) target(%dma_start3A_539 : memref<128x64xf32, #tpu.memory_space<vmem>>) offsets(%dma_start3A_540 : memref<128xi32, #tpu.memory_space<vmem>>) semaphore(%dma_start3A_545 : memref<!tpu.dma_semaphore, #tpu.memory_space<semaphore_mem>>)
      %mul3A_546 = arith.constant 128 : i32
      %mul3A_547 = arith.muli %add3A_531, %mul3A_546 : i32
      %dma_start3A_548 = arith.constant 3 : i32
      %dma_start3A_549 = arith.constant 3 : i32
      %dma_start3A_550 = arith.constant 0 : i32
      %dma_start3A_551 = arith.constant 0 : i32
      %dma_start3A_552 = tpu.memref_slice %arg10[%dma_start3A_548, %dma_start3A_550, %dma_start3A_551] : memref<4x128x64xf32, #tpu.memory_space<vmem>> -> memref<1x128x64xf32, #tpu.memory_space<vmem>>
      %dma_start3A_553 = tpu.memref_squeeze %dma_start3A_552 : memref<1x128x64xf32, #tpu.memory_space<vmem>> -> memref<128x64xf32, #tpu.memory_space<vmem>>
      %dma_start3A_554 = tpu.memref_slice %arg8[%mul3A_547] : memref<6400xi32, #tpu.memory_space<vmem>> -> memref<128xi32, #tpu.memory_space<vmem>>
      %dma_start3A_555 = arith.constant 0 : i32
      %dma_start3A_556 = arith.constant 0 : i32
      %dma_start3A_557 = tpu.memref_slice %arg5[%dma_start3A_555, %dma_start3A_556] : memref<100000x64xf32, #tpu.memory_space<hbm>> -> memref<100000x64xf32, #tpu.memory_space<hbm>>
      %dma_start3A_558 = tpu.memref_slice %arg11[%dma_start3A_549] : memref<4x!tpu.dma_semaphore, #tpu.memory_space<semaphore_mem>> -> memref<1x!tpu.dma_semaphore, #tpu.memory_space<semaphore_mem>>
      %dma_start3A_559 = tpu.memref_squeeze %dma_start3A_558 : memref<1x!tpu.dma_semaphore, #tpu.memory_space<semaphore_mem>> -> memref<!tpu.dma_semaphore, #tpu.memory_space<semaphore_mem>>
      tpu.enqueue_indirect_dma source(%dma_start3A_557 : memref<100000x64xf32, #tpu.memory_space<hbm>>) target(%dma_start3A_553 : memref<128x64xf32, #tpu.memory_space<vmem>>) offsets(%dma_start3A_554 : memref<128xi32, #tpu.memory_space<vmem>>) semaphore(%dma_start3A_559 : memref<!tpu.dma_semaphore, #tpu.memory_space<semaphore_mem>>)
      %mul3A_560 = arith.constant 4 : i32
      %mul3A_561 = arith.muli %mul3A_560, %scan3A_342 : i32
      %add3A_562 = arith.constant 2 : i32
      %add3A_563 = arith.addi %mul3A_561, %add3A_562 : i32
      %dma_wait3A_564 = arith.constant 2 : i32
      %dma_wait3A_565 = arith.constant 2 : i32
      %dma_wait3A_566 = arith.constant 0 : i32
      %dma_wait3A_567 = arith.constant 0 : i32
      %dma_wait3A_568 = tpu.memref_slice %arg9[%dma_wait3A_564, %dma_wait3A_566, %dma_wait3A_567] : memref<4x128x64xf32, #tpu.memory_space<vmem>> -> memref<1x128x64xf32, #tpu.memory_space<vmem>>
      %dma_wait3A_569 = tpu.memref_squeeze %dma_wait3A_568 : memref<1x128x64xf32, #tpu.memory_space<vmem>> -> memref<128x64xf32, #tpu.memory_space<vmem>>
      %dma_wait3A_570 = arith.constant 0 : i32
      %dma_wait3A_571 = arith.constant 0 : i32
      %dma_wait3A_572 = tpu.memref_slice %arg4[%dma_wait3A_570, %dma_wait3A_571] : memref<1000000x64xf32, #tpu.memory_space<hbm>> -> memref<128x64xf32, #tpu.memory_space<hbm>>
      %dma_wait3A_573 = tpu.memref_slice %arg11[%dma_wait3A_565] : memref<4x!tpu.dma_semaphore, #tpu.memory_space<semaphore_mem>> -> memref<1x!tpu.dma_semaphore, #tpu.memory_space<semaphore_mem>>
      %dma_wait3A_574 = tpu.memref_squeeze %dma_wait3A_573 : memref<1x!tpu.dma_semaphore, #tpu.memory_space<semaphore_mem>> -> memref<!tpu.dma_semaphore, #tpu.memory_space<semaphore_mem>>
      %dma_wait3A_575 = arith.constant 0 : i32
      %dma_wait3A_576 = arith.constant 0 : i32
      %dma_wait3A_577 = tpu.memref_slice %arg9[%dma_wait3A_564, %dma_wait3A_575, %dma_wait3A_576] : memref<4x128x64xf32, #tpu.memory_space<vmem>> -> memref<1x128x64xf32, #tpu.memory_space<vmem>>
      %dma_wait3A_578 = tpu.memref_squeeze %dma_wait3A_577 : memref<1x128x64xf32, #tpu.memory_space<vmem>> -> memref<128x64xf32, #tpu.memory_space<vmem>>
      %dma_wait3A_579 = arith.constant 0 : i32
      %dma_wait3A_580 = arith.constant 0 : i32
      %dma_wait3A_581 = tpu.memref_slice %arg4[%dma_wait3A_579, %dma_wait3A_580] : memref<1000000x64xf32, #tpu.memory_space<hbm>> -> memref<128x64xf32, #tpu.memory_space<hbm>>
      tpu.wait_dma2 semaphore(%dma_wait3A_574 : memref<!tpu.dma_semaphore, #tpu.memory_space<semaphore_mem>>) src(%dma_wait3A_581 : memref<128x64xf32, #tpu.memory_space<hbm>>) dst(%dma_wait3A_578 : memref<128x64xf32, #tpu.memory_space<vmem>>)
      %dma_wait3A_582 = arith.constant 2 : i32
      %dma_wait3A_583 = arith.constant 2 : i32
      %dma_wait3A_584 = arith.constant 0 : i32
      %dma_wait3A_585 = arith.constant 0 : i32
      %dma_wait3A_586 = tpu.memref_slice %arg10[%dma_wait3A_582, %dma_wait3A_584, %dma_wait3A_585] : memref<4x128x64xf32, #tpu.memory_space<vmem>> -> memref<1x128x64xf32, #tpu.memory_space<vmem>>
      %dma_wait3A_587 = tpu.memref_squeeze %dma_wait3A_586 : memref<1x128x64xf32, #tpu.memory_space<vmem>> -> memref<128x64xf32, #tpu.memory_space<vmem>>
      %dma_wait3A_588 = arith.constant 0 : i32
      %dma_wait3A_589 = arith.constant 0 : i32
      %dma_wait3A_590 = tpu.memref_slice %arg5[%dma_wait3A_588, %dma_wait3A_589] : memref<100000x64xf32, #tpu.memory_space<hbm>> -> memref<128x64xf32, #tpu.memory_space<hbm>>
      %dma_wait3A_591 = tpu.memref_slice %arg11[%dma_wait3A_583] : memref<4x!tpu.dma_semaphore, #tpu.memory_space<semaphore_mem>> -> memref<1x!tpu.dma_semaphore, #tpu.memory_space<semaphore_mem>>
      %dma_wait3A_592 = tpu.memref_squeeze %dma_wait3A_591 : memref<1x!tpu.dma_semaphore, #tpu.memory_space<semaphore_mem>> -> memref<!tpu.dma_semaphore, #tpu.memory_space<semaphore_mem>>
      %dma_wait3A_593 = arith.constant 0 : i32
      %dma_wait3A_594 = arith.constant 0 : i32
      %dma_wait3A_595 = tpu.memref_slice %arg10[%dma_wait3A_582, %dma_wait3A_593, %dma_wait3A_594] : memref<4x128x64xf32, #tpu.memory_space<vmem>> -> memref<1x128x64xf32, #tpu.memory_space<vmem>>
      %dma_wait3A_596 = tpu.memref_squeeze %dma_wait3A_595 : memref<1x128x64xf32, #tpu.memory_space<vmem>> -> memref<128x64xf32, #tpu.memory_space<vmem>>
      %dma_wait3A_597 = arith.constant 0 : i32
      %dma_wait3A_598 = arith.constant 0 : i32
      %dma_wait3A_599 = tpu.memref_slice %arg5[%dma_wait3A_597, %dma_wait3A_598] : memref<100000x64xf32, #tpu.memory_space<hbm>> -> memref<128x64xf32, #tpu.memory_space<hbm>>
      tpu.wait_dma2 semaphore(%dma_wait3A_592 : memref<!tpu.dma_semaphore, #tpu.memory_space<semaphore_mem>>) src(%dma_wait3A_599 : memref<128x64xf32, #tpu.memory_space<hbm>>) dst(%dma_wait3A_596 : memref<128x64xf32, #tpu.memory_space<vmem>>)
      %add3A_600 = arith.addi %mul3A_2, %add3A_563 : i32
      %mul3A_601 = arith.constant 128 : i32
      %mul3A_602 = arith.muli %add3A_600, %mul3A_601 : i32
      %dma_start3A_603 = arith.constant 2 : i32
      %dma_start3A_604 = arith.constant 2 : i32
      %dma_start3A_605 = arith.constant 0 : i32
      %dma_start3A_606 = arith.constant 0 : i32
      %dma_start3A_607 = tpu.memref_slice %arg9[%dma_start3A_603, %dma_start3A_605, %dma_start3A_606] : memref<4x128x64xf32, #tpu.memory_space<vmem>> -> memref<1x128x64xf32, #tpu.memory_space<vmem>>
      %dma_start3A_608 = tpu.memref_squeeze %dma_start3A_607 : memref<1x128x64xf32, #tpu.memory_space<vmem>> -> memref<128x64xf32, #tpu.memory_space<vmem>>
      %dma_start3A_609 = arith.constant 0 : i32
      %dma_start3A_610 = tpu.memref_slice %arg6[%mul3A_602, %dma_start3A_609] : memref<204800x128xf32, #tpu.memory_space<hbm>> -> memref<128x64xf32, #tpu.memory_space<hbm>>
      %dma_start3A_611 = tpu.memref_slice %arg12[%dma_start3A_604] : memref<4x!tpu.dma_semaphore, #tpu.memory_space<semaphore_mem>> -> memref<1x!tpu.dma_semaphore, #tpu.memory_space<semaphore_mem>>
      %dma_start3A_612 = tpu.memref_squeeze %dma_start3A_611 : memref<1x!tpu.dma_semaphore, #tpu.memory_space<semaphore_mem>> -> memref<!tpu.dma_semaphore, #tpu.memory_space<semaphore_mem>>
      %dma_start3A_613 = arith.constant 0 : i32
      %dma_start3A_614 = tpu.memref_slice %arg6[%mul3A_602, %dma_start3A_613] : memref<204800x128xf32, #tpu.memory_space<hbm>> -> memref<128x64xf32, #tpu.memory_space<hbm>>
      %dma_start3A_615 = arith.constant 0 : i32
      %dma_start3A_616 = arith.constant 0 : i32
      %dma_start3A_617 = tpu.memref_slice %arg9[%dma_start3A_603, %dma_start3A_615, %dma_start3A_616] : memref<4x128x64xf32, #tpu.memory_space<vmem>> -> memref<1x128x64xf32, #tpu.memory_space<vmem>>
      %dma_start3A_618 = tpu.memref_squeeze %dma_start3A_617 : memref<1x128x64xf32, #tpu.memory_space<vmem>> -> memref<128x64xf32, #tpu.memory_space<vmem>>
      tpu.enqueue_dma source(%dma_start3A_618 : memref<128x64xf32, #tpu.memory_space<vmem>>) target(%dma_start3A_614 : memref<128x64xf32, #tpu.memory_space<hbm>>) target_semaphore(%dma_start3A_612 : memref<!tpu.dma_semaphore, #tpu.memory_space<semaphore_mem>>)
      %dma_start3A_619 = arith.constant 2 : i32
      %dma_start3A_620 = arith.constant 2 : i32
      %dma_start3A_621 = arith.constant 0 : i32
      %dma_start3A_622 = arith.constant 0 : i32
      %dma_start3A_623 = tpu.memref_slice %arg10[%dma_start3A_619, %dma_start3A_621, %dma_start3A_622] : memref<4x128x64xf32, #tpu.memory_space<vmem>> -> memref<1x128x64xf32, #tpu.memory_space<vmem>>
      %dma_start3A_624 = tpu.memref_squeeze %dma_start3A_623 : memref<1x128x64xf32, #tpu.memory_space<vmem>> -> memref<128x64xf32, #tpu.memory_space<vmem>>
      %dma_start3A_625 = arith.constant 64 : i32
      %dma_start3A_626 = tpu.memref_slice %arg6[%mul3A_602, %dma_start3A_625] : memref<204800x128xf32, #tpu.memory_space<hbm>> -> memref<128x64xf32, #tpu.memory_space<hbm>>
      %dma_start3A_627 = tpu.memref_slice %arg12[%dma_start3A_620] : memref<4x!tpu.dma_semaphore, #tpu.memory_space<semaphore_mem>> -> memref<1x!tpu.dma_semaphore, #tpu.memory_space<semaphore_mem>>
      %dma_start3A_628 = tpu.memref_squeeze %dma_start3A_627 : memref<1x!tpu.dma_semaphore, #tpu.memory_space<semaphore_mem>> -> memref<!tpu.dma_semaphore, #tpu.memory_space<semaphore_mem>>
      %dma_start3A_629 = arith.constant 64 : i32
      %dma_start3A_630 = tpu.memref_slice %arg6[%mul3A_602, %dma_start3A_629] : memref<204800x128xf32, #tpu.memory_space<hbm>> -> memref<128x64xf32, #tpu.memory_space<hbm>>
      %dma_start3A_631 = arith.constant 0 : i32
      %dma_start3A_632 = arith.constant 0 : i32
      %dma_start3A_633 = tpu.memref_slice %arg10[%dma_start3A_619, %dma_start3A_631, %dma_start3A_632] : memref<4x128x64xf32, #tpu.memory_space<vmem>> -> memref<1x128x64xf32, #tpu.memory_space<vmem>>
      %dma_start3A_634 = tpu.memref_squeeze %dma_start3A_633 : memref<1x128x64xf32, #tpu.memory_space<vmem>> -> memref<128x64xf32, #tpu.memory_space<vmem>>
      tpu.enqueue_dma source(%dma_start3A_634 : memref<128x64xf32, #tpu.memory_space<vmem>>) target(%dma_start3A_630 : memref<128x64xf32, #tpu.memory_space<hbm>>) target_semaphore(%dma_start3A_628 : memref<!tpu.dma_semaphore, #tpu.memory_space<semaphore_mem>>)
      %ge3A_635 = arith.constant 2 : i32
      %ge3A_636 = arith.cmpi sge, %add3A_563, %ge3A_635 : i32
      %convert_element_type3A_637 = arith.extui %ge3A_636 : i1 to i32
      %cond3A_638 = arith.constant 0 : i32
      %cond3A_639 = arith.cmpi ne, %convert_element_type3A_637, %cond3A_638 : i32
      scf.if %cond3A_639 {
        %mul3A_780 = arith.constant 128 : i32
        %mul3A_781 = arith.muli %mul3A_2, %mul3A_780 : i32
        %dma_wait3A_782 = arith.constant 0 : i32
        %dma_wait3A_783 = arith.constant 0 : i32
        %dma_wait3A_784 = arith.constant 0 : i32
        %dma_wait3A_785 = arith.constant 0 : i32
        %dma_wait3A_786 = tpu.memref_slice %arg9[%dma_wait3A_782, %dma_wait3A_784, %dma_wait3A_785] : memref<4x128x64xf32, #tpu.memory_space<vmem>> -> memref<1x128x64xf32, #tpu.memory_space<vmem>>
        %dma_wait3A_787 = tpu.memref_squeeze %dma_wait3A_786 : memref<1x128x64xf32, #tpu.memory_space<vmem>> -> memref<128x64xf32, #tpu.memory_space<vmem>>
        %dma_wait3A_788 = arith.constant 0 : i32
        %dma_wait3A_789 = tpu.memref_slice %arg6[%mul3A_781, %dma_wait3A_788] : memref<204800x128xf32, #tpu.memory_space<hbm>> -> memref<128x64xf32, #tpu.memory_space<hbm>>
        %dma_wait3A_790 = tpu.memref_slice %arg12[%dma_wait3A_783] : memref<4x!tpu.dma_semaphore, #tpu.memory_space<semaphore_mem>> -> memref<1x!tpu.dma_semaphore, #tpu.memory_space<semaphore_mem>>
        %dma_wait3A_791 = tpu.memref_squeeze %dma_wait3A_790 : memref<1x!tpu.dma_semaphore, #tpu.memory_space<semaphore_mem>> -> memref<!tpu.dma_semaphore, #tpu.memory_space<semaphore_mem>>
        %dma_wait3A_792 = arith.constant 0 : i32
        %dma_wait3A_793 = tpu.memref_slice %arg6[%mul3A_781, %dma_wait3A_792] : memref<204800x128xf32, #tpu.memory_space<hbm>> -> memref<128x64xf32, #tpu.memory_space<hbm>>
        %dma_wait3A_794 = arith.constant 0 : i32
        %dma_wait3A_795 = arith.constant 0 : i32
        %dma_wait3A_796 = tpu.memref_slice %arg9[%dma_wait3A_782, %dma_wait3A_794, %dma_wait3A_795] : memref<4x128x64xf32, #tpu.memory_space<vmem>> -> memref<1x128x64xf32, #tpu.memory_space<vmem>>
        %dma_wait3A_797 = tpu.memref_squeeze %dma_wait3A_796 : memref<1x128x64xf32, #tpu.memory_space<vmem>> -> memref<128x64xf32, #tpu.memory_space<vmem>>
        tpu.wait_dma2 semaphore(%dma_wait3A_791 : memref<!tpu.dma_semaphore, #tpu.memory_space<semaphore_mem>>) src(%dma_wait3A_797 : memref<128x64xf32, #tpu.memory_space<vmem>>) dst(%dma_wait3A_793 : memref<128x64xf32, #tpu.memory_space<hbm>>)
        %dma_wait3A_798 = arith.constant 0 : i32
        %dma_wait3A_799 = arith.constant 0 : i32
        %dma_wait3A_800 = arith.constant 0 : i32
        %dma_wait3A_801 = arith.constant 0 : i32
        %dma_wait3A_802 = tpu.memref_slice %arg10[%dma_wait3A_798, %dma_wait3A_800, %dma_wait3A_801] : memref<4x128x64xf32, #tpu.memory_space<vmem>> -> memref<1x128x64xf32, #tpu.memory_space<vmem>>
        %dma_wait3A_803 = tpu.memref_squeeze %dma_wait3A_802 : memref<1x128x64xf32, #tpu.memory_space<vmem>> -> memref<128x64xf32, #tpu.memory_space<vmem>>
        %dma_wait3A_804 = arith.constant 64 : i32
        %dma_wait3A_805 = tpu.memref_slice %arg6[%mul3A_781, %dma_wait3A_804] : memref<204800x128xf32, #tpu.memory_space<hbm>> -> memref<128x64xf32, #tpu.memory_space<hbm>>
        %dma_wait3A_806 = tpu.memref_slice %arg12[%dma_wait3A_799] : memref<4x!tpu.dma_semaphore, #tpu.memory_space<semaphore_mem>> -> memref<1x!tpu.dma_semaphore, #tpu.memory_space<semaphore_mem>>
        %dma_wait3A_807 = tpu.memref_squeeze %dma_wait3A_806 : memref<1x!tpu.dma_semaphore, #tpu.memory_space<semaphore_mem>> -> memref<!tpu.dma_semaphore, #tpu.memory_space<semaphore_mem>>
        %dma_wait3A_808 = arith.constant 64 : i32
        %dma_wait3A_809 = tpu.memref_slice %arg6[%mul3A_781, %dma_wait3A_808] : memref<204800x128xf32, #tpu.memory_space<hbm>> -> memref<128x64xf32, #tpu.memory_space<hbm>>
        %dma_wait3A_810 = arith.constant 0 : i32
        %dma_wait3A_811 = arith.constant 0 : i32
        %dma_wait3A_812 = tpu.memref_slice %arg10[%dma_wait3A_798, %dma_wait3A_810, %dma_wait3A_811] : memref<4x128x64xf32, #tpu.memory_space<vmem>> -> memref<1x128x64xf32, #tpu.memory_space<vmem>>
        %dma_wait3A_813 = tpu.memref_squeeze %dma_wait3A_812 : memref<1x128x64xf32, #tpu.memory_space<vmem>> -> memref<128x64xf32, #tpu.memory_space<vmem>>
        tpu.wait_dma2 semaphore(%dma_wait3A_807 : memref<!tpu.dma_semaphore, #tpu.memory_space<semaphore_mem>>) src(%dma_wait3A_813 : memref<128x64xf32, #tpu.memory_space<vmem>>) dst(%dma_wait3A_809 : memref<128x64xf32, #tpu.memory_space<hbm>>)
      } else {
      }
      %add3A_640 = arith.constant 2 : i32
      %add3A_641 = arith.addi %add3A_563, %add3A_640 : i32
      %mul3A_642 = arith.constant 128 : i32
      %mul3A_643 = arith.muli %add3A_641, %mul3A_642 : i32
      %dma_start3A_644 = arith.constant 0 : i32
      %dma_start3A_645 = arith.constant 0 : i32
      %dma_start3A_646 = arith.constant 0 : i32
      %dma_start3A_647 = arith.constant 0 : i32
      %dma_start3A_648 = tpu.memref_slice %arg9[%dma_start3A_644, %dma_start3A_646, %dma_start3A_647] : memref<4x128x64xf32, #tpu.memory_space<vmem>> -> memref<1x128x64xf32, #tpu.memory_space<vmem>>
      %dma_start3A_649 = tpu.memref_squeeze %dma_start3A_648 : memref<1x128x64xf32, #tpu.memory_space<vmem>> -> memref<128x64xf32, #tpu.memory_space<vmem>>
      %dma_start3A_650 = tpu.memref_slice %arg7[%mul3A_643] : memref<6400xi32, #tpu.memory_space<vmem>> -> memref<128xi32, #tpu.memory_space<vmem>>
      %dma_start3A_651 = arith.constant 0 : i32
      %dma_start3A_652 = arith.constant 0 : i32
      %dma_start3A_653 = tpu.memref_slice %arg4[%dma_start3A_651, %dma_start3A_652] : memref<1000000x64xf32, #tpu.memory_space<hbm>> -> memref<1000000x64xf32, #tpu.memory_space<hbm>>
      %dma_start3A_654 = tpu.memref_slice %arg11[%dma_start3A_645] : memref<4x!tpu.dma_semaphore, #tpu.memory_space<semaphore_mem>> -> memref<1x!tpu.dma_semaphore, #tpu.memory_space<semaphore_mem>>
      %dma_start3A_655 = tpu.memref_squeeze %dma_start3A_654 : memref<1x!tpu.dma_semaphore, #tpu.memory_space<semaphore_mem>> -> memref<!tpu.dma_semaphore, #tpu.memory_space<semaphore_mem>>
      tpu.enqueue_indirect_dma source(%dma_start3A_653 : memref<1000000x64xf32, #tpu.memory_space<hbm>>) target(%dma_start3A_649 : memref<128x64xf32, #tpu.memory_space<vmem>>) offsets(%dma_start3A_650 : memref<128xi32, #tpu.memory_space<vmem>>) semaphore(%dma_start3A_655 : memref<!tpu.dma_semaphore, #tpu.memory_space<semaphore_mem>>)
      %mul3A_656 = arith.constant 128 : i32
      %mul3A_657 = arith.muli %add3A_641, %mul3A_656 : i32
      %dma_start3A_658 = arith.constant 0 : i32
      %dma_start3A_659 = arith.constant 0 : i32
      %dma_start3A_660 = arith.constant 0 : i32
      %dma_start3A_661 = arith.constant 0 : i32
      %dma_start3A_662 = tpu.memref_slice %arg10[%dma_start3A_658, %dma_start3A_660, %dma_start3A_661] : memref<4x128x64xf32, #tpu.memory_space<vmem>> -> memref<1x128x64xf32, #tpu.memory_space<vmem>>
      %dma_start3A_663 = tpu.memref_squeeze %dma_start3A_662 : memref<1x128x64xf32, #tpu.memory_space<vmem>> -> memref<128x64xf32, #tpu.memory_space<vmem>>
      %dma_start3A_664 = tpu.memref_slice %arg8[%mul3A_657] : memref<6400xi32, #tpu.memory_space<vmem>> -> memref<128xi32, #tpu.memory_space<vmem>>
      %dma_start3A_665 = arith.constant 0 : i32
      %dma_start3A_666 = arith.constant 0 : i32
      %dma_start3A_667 = tpu.memref_slice %arg5[%dma_start3A_665, %dma_start3A_666] : memref<100000x64xf32, #tpu.memory_space<hbm>> -> memref<100000x64xf32, #tpu.memory_space<hbm>>
      %dma_start3A_668 = tpu.memref_slice %arg11[%dma_start3A_659] : memref<4x!tpu.dma_semaphore, #tpu.memory_space<semaphore_mem>> -> memref<1x!tpu.dma_semaphore, #tpu.memory_space<semaphore_mem>>
      %dma_start3A_669 = tpu.memref_squeeze %dma_start3A_668 : memref<1x!tpu.dma_semaphore, #tpu.memory_space<semaphore_mem>> -> memref<!tpu.dma_semaphore, #tpu.memory_space<semaphore_mem>>
      tpu.enqueue_indirect_dma source(%dma_start3A_667 : memref<100000x64xf32, #tpu.memory_space<hbm>>) target(%dma_start3A_663 : memref<128x64xf32, #tpu.memory_space<vmem>>) offsets(%dma_start3A_664 : memref<128xi32, #tpu.memory_space<vmem>>) semaphore(%dma_start3A_669 : memref<!tpu.dma_semaphore, #tpu.memory_space<semaphore_mem>>)
      %mul3A_670 = arith.constant 4 : i32
      %mul3A_671 = arith.muli %mul3A_670, %scan3A_342 : i32
      %add3A_672 = arith.constant 3 : i32
      %add3A_673 = arith.addi %mul3A_671, %add3A_672 : i32
      %dma_wait3A_674 = arith.constant 3 : i32
      %dma_wait3A_675 = arith.constant 3 : i32
      %dma_wait3A_676 = arith.constant 0 : i32
      %dma_wait3A_677 = arith.constant 0 : i32
      %dma_wait3A_678 = tpu.memref_slice %arg9[%dma_wait3A_674, %dma_wait3A_676, %dma_wait3A_677] : memref<4x128x64xf32, #tpu.memory_space<vmem>> -> memref<1x128x64xf32, #tpu.memory_space<vmem>>
      %dma_wait3A_679 = tpu.memref_squeeze %dma_wait3A_678 : memref<1x128x64xf32, #tpu.memory_space<vmem>> -> memref<128x64xf32, #tpu.memory_space<vmem>>
      %dma_wait3A_680 = arith.constant 0 : i32
      %dma_wait3A_681 = arith.constant 0 : i32
      %dma_wait3A_682 = tpu.memref_slice %arg4[%dma_wait3A_680, %dma_wait3A_681] : memref<1000000x64xf32, #tpu.memory_space<hbm>> -> memref<128x64xf32, #tpu.memory_space<hbm>>
      %dma_wait3A_683 = tpu.memref_slice %arg11[%dma_wait3A_675] : memref<4x!tpu.dma_semaphore, #tpu.memory_space<semaphore_mem>> -> memref<1x!tpu.dma_semaphore, #tpu.memory_space<semaphore_mem>>
      %dma_wait3A_684 = tpu.memref_squeeze %dma_wait3A_683 : memref<1x!tpu.dma_semaphore, #tpu.memory_space<semaphore_mem>> -> memref<!tpu.dma_semaphore, #tpu.memory_space<semaphore_mem>>
      %dma_wait3A_685 = arith.constant 0 : i32
      %dma_wait3A_686 = arith.constant 0 : i32
      %dma_wait3A_687 = tpu.memref_slice %arg9[%dma_wait3A_674, %dma_wait3A_685, %dma_wait3A_686] : memref<4x128x64xf32, #tpu.memory_space<vmem>> -> memref<1x128x64xf32, #tpu.memory_space<vmem>>
      %dma_wait3A_688 = tpu.memref_squeeze %dma_wait3A_687 : memref<1x128x64xf32, #tpu.memory_space<vmem>> -> memref<128x64xf32, #tpu.memory_space<vmem>>
      %dma_wait3A_689 = arith.constant 0 : i32
      %dma_wait3A_690 = arith.constant 0 : i32
      %dma_wait3A_691 = tpu.memref_slice %arg4[%dma_wait3A_689, %dma_wait3A_690] : memref<1000000x64xf32, #tpu.memory_space<hbm>> -> memref<128x64xf32, #tpu.memory_space<hbm>>
      tpu.wait_dma2 semaphore(%dma_wait3A_684 : memref<!tpu.dma_semaphore, #tpu.memory_space<semaphore_mem>>) src(%dma_wait3A_691 : memref<128x64xf32, #tpu.memory_space<hbm>>) dst(%dma_wait3A_688 : memref<128x64xf32, #tpu.memory_space<vmem>>)
      %dma_wait3A_692 = arith.constant 3 : i32
      %dma_wait3A_693 = arith.constant 3 : i32
      %dma_wait3A_694 = arith.constant 0 : i32
      %dma_wait3A_695 = arith.constant 0 : i32
      %dma_wait3A_696 = tpu.memref_slice %arg10[%dma_wait3A_692, %dma_wait3A_694, %dma_wait3A_695] : memref<4x128x64xf32, #tpu.memory_space<vmem>> -> memref<1x128x64xf32, #tpu.memory_space<vmem>>
      %dma_wait3A_697 = tpu.memref_squeeze %dma_wait3A_696 : memref<1x128x64xf32, #tpu.memory_space<vmem>> -> memref<128x64xf32, #tpu.memory_space<vmem>>
      %dma_wait3A_698 = arith.constant 0 : i32
      %dma_wait3A_699 = arith.constant 0 : i32
      %dma_wait3A_700 = tpu.memref_slice %arg5[%dma_wait3A_698, %dma_wait3A_699] : memref<100000x64xf32, #tpu.memory_space<hbm>> -> memref<128x64xf32, #tpu.memory_space<hbm>>
      %dma_wait3A_701 = tpu.memref_slice %arg11[%dma_wait3A_693] : memref<4x!tpu.dma_semaphore, #tpu.memory_space<semaphore_mem>> -> memref<1x!tpu.dma_semaphore, #tpu.memory_space<semaphore_mem>>
      %dma_wait3A_702 = tpu.memref_squeeze %dma_wait3A_701 : memref<1x!tpu.dma_semaphore, #tpu.memory_space<semaphore_mem>> -> memref<!tpu.dma_semaphore, #tpu.memory_space<semaphore_mem>>
      %dma_wait3A_703 = arith.constant 0 : i32
      %dma_wait3A_704 = arith.constant 0 : i32
      %dma_wait3A_705 = tpu.memref_slice %arg10[%dma_wait3A_692, %dma_wait3A_703, %dma_wait3A_704] : memref<4x128x64xf32, #tpu.memory_space<vmem>> -> memref<1x128x64xf32, #tpu.memory_space<vmem>>
      %dma_wait3A_706 = tpu.memref_squeeze %dma_wait3A_705 : memref<1x128x64xf32, #tpu.memory_space<vmem>> -> memref<128x64xf32, #tpu.memory_space<vmem>>
      %dma_wait3A_707 = arith.constant 0 : i32
      %dma_wait3A_708 = arith.constant 0 : i32
      %dma_wait3A_709 = tpu.memref_slice %arg5[%dma_wait3A_707, %dma_wait3A_708] : memref<100000x64xf32, #tpu.memory_space<hbm>> -> memref<128x64xf32, #tpu.memory_space<hbm>>
      tpu.wait_dma2 semaphore(%dma_wait3A_702 : memref<!tpu.dma_semaphore, #tpu.memory_space<semaphore_mem>>) src(%dma_wait3A_709 : memref<128x64xf32, #tpu.memory_space<hbm>>) dst(%dma_wait3A_706 : memref<128x64xf32, #tpu.memory_space<vmem>>)
      %add3A_710 = arith.addi %mul3A_2, %add3A_673 : i32
      %mul3A_711 = arith.constant 128 : i32
      %mul3A_712 = arith.muli %add3A_710, %mul3A_711 : i32
      %dma_start3A_713 = arith.constant 3 : i32
      %dma_start3A_714 = arith.constant 3 : i32
      %dma_start3A_715 = arith.constant 0 : i32
      %dma_start3A_716 = arith.constant 0 : i32
      %dma_start3A_717 = tpu.memref_slice %arg9[%dma_start3A_713, %dma_start3A_715, %dma_start3A_716] : memref<4x128x64xf32, #tpu.memory_space<vmem>> -> memref<1x128x64xf32, #tpu.memory_space<vmem>>
      %dma_start3A_718 = tpu.memref_squeeze %dma_start3A_717 : memref<1x128x64xf32, #tpu.memory_space<vmem>> -> memref<128x64xf32, #tpu.memory_space<vmem>>
      %dma_start3A_719 = arith.constant 0 : i32
      %dma_start3A_720 = tpu.memref_slice %arg6[%mul3A_712, %dma_start3A_719] : memref<204800x128xf32, #tpu.memory_space<hbm>> -> memref<128x64xf32, #tpu.memory_space<hbm>>
      %dma_start3A_721 = tpu.memref_slice %arg12[%dma_start3A_714] : memref<4x!tpu.dma_semaphore, #tpu.memory_space<semaphore_mem>> -> memref<1x!tpu.dma_semaphore, #tpu.memory_space<semaphore_mem>>
      %dma_start3A_722 = tpu.memref_squeeze %dma_start3A_721 : memref<1x!tpu.dma_semaphore, #tpu.memory_space<semaphore_mem>> -> memref<!tpu.dma_semaphore, #tpu.memory_space<semaphore_mem>>
      %dma_start3A_723 = arith.constant 0 : i32
      %dma_start3A_724 = tpu.memref_slice %arg6[%mul3A_712, %dma_start3A_723] : memref<204800x128xf32, #tpu.memory_space<hbm>> -> memref<128x64xf32, #tpu.memory_space<hbm>>
      %dma_start3A_725 = arith.constant 0 : i32
      %dma_start3A_726 = arith.constant 0 : i32
      %dma_start3A_727 = tpu.memref_slice %arg9[%dma_start3A_713, %dma_start3A_725, %dma_start3A_726] : memref<4x128x64xf32, #tpu.memory_space<vmem>> -> memref<1x128x64xf32, #tpu.memory_space<vmem>>
      %dma_start3A_728 = tpu.memref_squeeze %dma_start3A_727 : memref<1x128x64xf32, #tpu.memory_space<vmem>> -> memref<128x64xf32, #tpu.memory_space<vmem>>
      tpu.enqueue_dma source(%dma_start3A_728 : memref<128x64xf32, #tpu.memory_space<vmem>>) target(%dma_start3A_724 : memref<128x64xf32, #tpu.memory_space<hbm>>) target_semaphore(%dma_start3A_722 : memref<!tpu.dma_semaphore, #tpu.memory_space<semaphore_mem>>)
      %dma_start3A_729 = arith.constant 3 : i32
      %dma_start3A_730 = arith.constant 3 : i32
      %dma_start3A_731 = arith.constant 0 : i32
      %dma_start3A_732 = arith.constant 0 : i32
      %dma_start3A_733 = tpu.memref_slice %arg10[%dma_start3A_729, %dma_start3A_731, %dma_start3A_732] : memref<4x128x64xf32, #tpu.memory_space<vmem>> -> memref<1x128x64xf32, #tpu.memory_space<vmem>>
      %dma_start3A_734 = tpu.memref_squeeze %dma_start3A_733 : memref<1x128x64xf32, #tpu.memory_space<vmem>> -> memref<128x64xf32, #tpu.memory_space<vmem>>
      %dma_start3A_735 = arith.constant 64 : i32
      %dma_start3A_736 = tpu.memref_slice %arg6[%mul3A_712, %dma_start3A_735] : memref<204800x128xf32, #tpu.memory_space<hbm>> -> memref<128x64xf32, #tpu.memory_space<hbm>>
      %dma_start3A_737 = tpu.memref_slice %arg12[%dma_start3A_730] : memref<4x!tpu.dma_semaphore, #tpu.memory_space<semaphore_mem>> -> memref<1x!tpu.dma_semaphore, #tpu.memory_space<semaphore_mem>>
      %dma_start3A_738 = tpu.memref_squeeze %dma_start3A_737 : memref<1x!tpu.dma_semaphore, #tpu.memory_space<semaphore_mem>> -> memref<!tpu.dma_semaphore, #tpu.memory_space<semaphore_mem>>
      %dma_start3A_739 = arith.constant 64 : i32
      %dma_start3A_740 = tpu.memref_slice %arg6[%mul3A_712, %dma_start3A_739] : memref<204800x128xf32, #tpu.memory_space<hbm>> -> memref<128x64xf32, #tpu.memory_space<hbm>>
      %dma_start3A_741 = arith.constant 0 : i32
      %dma_start3A_742 = arith.constant 0 : i32
      %dma_start3A_743 = tpu.memref_slice %arg10[%dma_start3A_729, %dma_start3A_741, %dma_start3A_742] : memref<4x128x64xf32, #tpu.memory_space<vmem>> -> memref<1x128x64xf32, #tpu.memory_space<vmem>>
      %dma_start3A_744 = tpu.memref_squeeze %dma_start3A_743 : memref<1x128x64xf32, #tpu.memory_space<vmem>> -> memref<128x64xf32, #tpu.memory_space<vmem>>
      tpu.enqueue_dma source(%dma_start3A_744 : memref<128x64xf32, #tpu.memory_space<vmem>>) target(%dma_start3A_740 : memref<128x64xf32, #tpu.memory_space<hbm>>) target_semaphore(%dma_start3A_738 : memref<!tpu.dma_semaphore, #tpu.memory_space<semaphore_mem>>)
      %ge3A_745 = arith.constant 2 : i32
      %ge3A_746 = arith.cmpi sge, %add3A_673, %ge3A_745 : i32
      %convert_element_type3A_747 = arith.extui %ge3A_746 : i1 to i32
      %cond3A_748 = arith.constant 0 : i32
      %cond3A_749 = arith.cmpi ne, %convert_element_type3A_747, %cond3A_748 : i32
      scf.if %cond3A_749 {
        %mul3A_780 = arith.constant 128 : i32
        %mul3A_781 = arith.muli %mul3A_2, %mul3A_780 : i32
        %dma_wait3A_782 = arith.constant 1 : i32
        %dma_wait3A_783 = arith.constant 1 : i32
        %dma_wait3A_784 = arith.constant 0 : i32
        %dma_wait3A_785 = arith.constant 0 : i32
        %dma_wait3A_786 = tpu.memref_slice %arg9[%dma_wait3A_782, %dma_wait3A_784, %dma_wait3A_785] : memref<4x128x64xf32, #tpu.memory_space<vmem>> -> memref<1x128x64xf32, #tpu.memory_space<vmem>>
        %dma_wait3A_787 = tpu.memref_squeeze %dma_wait3A_786 : memref<1x128x64xf32, #tpu.memory_space<vmem>> -> memref<128x64xf32, #tpu.memory_space<vmem>>
        %dma_wait3A_788 = arith.constant 0 : i32
        %dma_wait3A_789 = tpu.memref_slice %arg6[%mul3A_781, %dma_wait3A_788] : memref<204800x128xf32, #tpu.memory_space<hbm>> -> memref<128x64xf32, #tpu.memory_space<hbm>>
        %dma_wait3A_790 = tpu.memref_slice %arg12[%dma_wait3A_783] : memref<4x!tpu.dma_semaphore, #tpu.memory_space<semaphore_mem>> -> memref<1x!tpu.dma_semaphore, #tpu.memory_space<semaphore_mem>>
        %dma_wait3A_791 = tpu.memref_squeeze %dma_wait3A_790 : memref<1x!tpu.dma_semaphore, #tpu.memory_space<semaphore_mem>> -> memref<!tpu.dma_semaphore, #tpu.memory_space<semaphore_mem>>
        %dma_wait3A_792 = arith.constant 0 : i32
        %dma_wait3A_793 = tpu.memref_slice %arg6[%mul3A_781, %dma_wait3A_792] : memref<204800x128xf32, #tpu.memory_space<hbm>> -> memref<128x64xf32, #tpu.memory_space<hbm>>
        %dma_wait3A_794 = arith.constant 0 : i32
        %dma_wait3A_795 = arith.constant 0 : i32
        %dma_wait3A_796 = tpu.memref_slice %arg9[%dma_wait3A_782, %dma_wait3A_794, %dma_wait3A_795] : memref<4x128x64xf32, #tpu.memory_space<vmem>> -> memref<1x128x64xf32, #tpu.memory_space<vmem>>
        %dma_wait3A_797 = tpu.memref_squeeze %dma_wait3A_796 : memref<1x128x64xf32, #tpu.memory_space<vmem>> -> memref<128x64xf32, #tpu.memory_space<vmem>>
        tpu.wait_dma2 semaphore(%dma_wait3A_791 : memref<!tpu.dma_semaphore, #tpu.memory_space<semaphore_mem>>) src(%dma_wait3A_797 : memref<128x64xf32, #tpu.memory_space<vmem>>) dst(%dma_wait3A_793 : memref<128x64xf32, #tpu.memory_space<hbm>>)
        %dma_wait3A_798 = arith.constant 1 : i32
        %dma_wait3A_799 = arith.constant 1 : i32
        %dma_wait3A_800 = arith.constant 0 : i32
        %dma_wait3A_801 = arith.constant 0 : i32
        %dma_wait3A_802 = tpu.memref_slice %arg10[%dma_wait3A_798, %dma_wait3A_800, %dma_wait3A_801] : memref<4x128x64xf32, #tpu.memory_space<vmem>> -> memref<1x128x64xf32, #tpu.memory_space<vmem>>
        %dma_wait3A_803 = tpu.memref_squeeze %dma_wait3A_802 : memref<1x128x64xf32, #tpu.memory_space<vmem>> -> memref<128x64xf32, #tpu.memory_space<vmem>>
        %dma_wait3A_804 = arith.constant 64 : i32
        %dma_wait3A_805 = tpu.memref_slice %arg6[%mul3A_781, %dma_wait3A_804] : memref<204800x128xf32, #tpu.memory_space<hbm>> -> memref<128x64xf32, #tpu.memory_space<hbm>>
        %dma_wait3A_806 = tpu.memref_slice %arg12[%dma_wait3A_799] : memref<4x!tpu.dma_semaphore, #tpu.memory_space<semaphore_mem>> -> memref<1x!tpu.dma_semaphore, #tpu.memory_space<semaphore_mem>>
        %dma_wait3A_807 = tpu.memref_squeeze %dma_wait3A_806 : memref<1x!tpu.dma_semaphore, #tpu.memory_space<semaphore_mem>> -> memref<!tpu.dma_semaphore, #tpu.memory_space<semaphore_mem>>
        %dma_wait3A_808 = arith.constant 64 : i32
        %dma_wait3A_809 = tpu.memref_slice %arg6[%mul3A_781, %dma_wait3A_808] : memref<204800x128xf32, #tpu.memory_space<hbm>> -> memref<128x64xf32, #tpu.memory_space<hbm>>
        %dma_wait3A_810 = arith.constant 0 : i32
        %dma_wait3A_811 = arith.constant 0 : i32
        %dma_wait3A_812 = tpu.memref_slice %arg10[%dma_wait3A_798, %dma_wait3A_810, %dma_wait3A_811] : memref<4x128x64xf32, #tpu.memory_space<vmem>> -> memref<1x128x64xf32, #tpu.memory_space<vmem>>
        %dma_wait3A_813 = tpu.memref_squeeze %dma_wait3A_812 : memref<1x128x64xf32, #tpu.memory_space<vmem>> -> memref<128x64xf32, #tpu.memory_space<vmem>>
        tpu.wait_dma2 semaphore(%dma_wait3A_807 : memref<!tpu.dma_semaphore, #tpu.memory_space<semaphore_mem>>) src(%dma_wait3A_813 : memref<128x64xf32, #tpu.memory_space<vmem>>) dst(%dma_wait3A_809 : memref<128x64xf32, #tpu.memory_space<hbm>>)
      } else {
      }
      %add3A_750 = arith.constant 2 : i32
      %add3A_751 = arith.addi %add3A_673, %add3A_750 : i32
      %mul3A_752 = arith.constant 128 : i32
      %mul3A_753 = arith.muli %add3A_751, %mul3A_752 : i32
      %dma_start3A_754 = arith.constant 1 : i32
      %dma_start3A_755 = arith.constant 1 : i32
      %dma_start3A_756 = arith.constant 0 : i32
      %dma_start3A_757 = arith.constant 0 : i32
      %dma_start3A_758 = tpu.memref_slice %arg9[%dma_start3A_754, %dma_start3A_756, %dma_start3A_757] : memref<4x128x64xf32, #tpu.memory_space<vmem>> -> memref<1x128x64xf32, #tpu.memory_space<vmem>>
      %dma_start3A_759 = tpu.memref_squeeze %dma_start3A_758 : memref<1x128x64xf32, #tpu.memory_space<vmem>> -> memref<128x64xf32, #tpu.memory_space<vmem>>
      %dma_start3A_760 = tpu.memref_slice %arg7[%mul3A_753] : memref<6400xi32, #tpu.memory_space<vmem>> -> memref<128xi32, #tpu.memory_space<vmem>>
      %dma_start3A_761 = arith.constant 0 : i32
      %dma_start3A_762 = arith.constant 0 : i32
      %dma_start3A_763 = tpu.memref_slice %arg4[%dma_start3A_761, %dma_start3A_762] : memref<1000000x64xf32, #tpu.memory_space<hbm>> -> memref<1000000x64xf32, #tpu.memory_space<hbm>>
      %dma_start3A_764 = tpu.memref_slice %arg11[%dma_start3A_755] : memref<4x!tpu.dma_semaphore, #tpu.memory_space<semaphore_mem>> -> memref<1x!tpu.dma_semaphore, #tpu.memory_space<semaphore_mem>>
      %dma_start3A_765 = tpu.memref_squeeze %dma_start3A_764 : memref<1x!tpu.dma_semaphore, #tpu.memory_space<semaphore_mem>> -> memref<!tpu.dma_semaphore, #tpu.memory_space<semaphore_mem>>
      tpu.enqueue_indirect_dma source(%dma_start3A_763 : memref<1000000x64xf32, #tpu.memory_space<hbm>>) target(%dma_start3A_759 : memref<128x64xf32, #tpu.memory_space<vmem>>) offsets(%dma_start3A_760 : memref<128xi32, #tpu.memory_space<vmem>>) semaphore(%dma_start3A_765 : memref<!tpu.dma_semaphore, #tpu.memory_space<semaphore_mem>>)
      %mul3A_766 = arith.constant 128 : i32
      %mul3A_767 = arith.muli %add3A_751, %mul3A_766 : i32
      %dma_start3A_768 = arith.constant 1 : i32
      %dma_start3A_769 = arith.constant 1 : i32
      %dma_start3A_770 = arith.constant 0 : i32
      %dma_start3A_771 = arith.constant 0 : i32
      %dma_start3A_772 = tpu.memref_slice %arg10[%dma_start3A_768, %dma_start3A_770, %dma_start3A_771] : memref<4x128x64xf32, #tpu.memory_space<vmem>> -> memref<1x128x64xf32, #tpu.memory_space<vmem>>
      %dma_start3A_773 = tpu.memref_squeeze %dma_start3A_772 : memref<1x128x64xf32, #tpu.memory_space<vmem>> -> memref<128x64xf32, #tpu.memory_space<vmem>>
      %dma_start3A_774 = tpu.memref_slice %arg8[%mul3A_767] : memref<6400xi32, #tpu.memory_space<vmem>> -> memref<128xi32, #tpu.memory_space<vmem>>
      %dma_start3A_775 = arith.constant 0 : i32
      %dma_start3A_776 = arith.constant 0 : i32
      %dma_start3A_777 = tpu.memref_slice %arg5[%dma_start3A_775, %dma_start3A_776] : memref<100000x64xf32, #tpu.memory_space<hbm>> -> memref<100000x64xf32, #tpu.memory_space<hbm>>
      %dma_start3A_778 = tpu.memref_slice %arg11[%dma_start3A_769] : memref<4x!tpu.dma_semaphore, #tpu.memory_space<semaphore_mem>> -> memref<1x!tpu.dma_semaphore, #tpu.memory_space<semaphore_mem>>
      %dma_start3A_779 = tpu.memref_squeeze %dma_start3A_778 : memref<1x!tpu.dma_semaphore, #tpu.memory_space<semaphore_mem>> -> memref<!tpu.dma_semaphore, #tpu.memory_space<semaphore_mem>>
      tpu.enqueue_indirect_dma source(%dma_start3A_777 : memref<100000x64xf32, #tpu.memory_space<hbm>>) target(%dma_start3A_773 : memref<128x64xf32, #tpu.memory_space<vmem>>) offsets(%dma_start3A_774 : memref<128xi32, #tpu.memory_space<vmem>>) semaphore(%dma_start3A_779 : memref<!tpu.dma_semaphore, #tpu.memory_space<semaphore_mem>>)
    }
    %scan3A_62 = arith.constant 12 : i32
    %dma_wait3A = arith.constant 0 : i32
    %dma_wait3A_63 = arith.constant 0 : i32
    %dma_wait3A_64 = arith.constant 0 : i32
    %dma_wait3A_65 = arith.constant 0 : i32
    %dma_wait3A_66 = tpu.memref_slice %arg9[%dma_wait3A, %dma_wait3A_64, %dma_wait3A_65] : memref<4x128x64xf32, #tpu.memory_space<vmem>> -> memref<1x128x64xf32, #tpu.memory_space<vmem>>
    %dma_wait3A_67 = tpu.memref_squeeze %dma_wait3A_66 : memref<1x128x64xf32, #tpu.memory_space<vmem>> -> memref<128x64xf32, #tpu.memory_space<vmem>>
    %dma_wait3A_68 = arith.constant 0 : i32
    %dma_wait3A_69 = arith.constant 0 : i32
    %dma_wait3A_70 = tpu.memref_slice %arg4[%dma_wait3A_68, %dma_wait3A_69] : memref<1000000x64xf32, #tpu.memory_space<hbm>> -> memref<128x64xf32, #tpu.memory_space<hbm>>
    %dma_wait3A_71 = tpu.memref_slice %arg11[%dma_wait3A_63] : memref<4x!tpu.dma_semaphore, #tpu.memory_space<semaphore_mem>> -> memref<1x!tpu.dma_semaphore, #tpu.memory_space<semaphore_mem>>
    %dma_wait3A_72 = tpu.memref_squeeze %dma_wait3A_71 : memref<1x!tpu.dma_semaphore, #tpu.memory_space<semaphore_mem>> -> memref<!tpu.dma_semaphore, #tpu.memory_space<semaphore_mem>>
    %dma_wait3A_73 = arith.constant 0 : i32
    %dma_wait3A_74 = arith.constant 0 : i32
    %dma_wait3A_75 = tpu.memref_slice %arg9[%dma_wait3A, %dma_wait3A_73, %dma_wait3A_74] : memref<4x128x64xf32, #tpu.memory_space<vmem>> -> memref<1x128x64xf32, #tpu.memory_space<vmem>>
    %dma_wait3A_76 = tpu.memref_squeeze %dma_wait3A_75 : memref<1x128x64xf32, #tpu.memory_space<vmem>> -> memref<128x64xf32, #tpu.memory_space<vmem>>
    %dma_wait3A_77 = arith.constant 0 : i32
    %dma_wait3A_78 = arith.constant 0 : i32
    %dma_wait3A_79 = tpu.memref_slice %arg4[%dma_wait3A_77, %dma_wait3A_78] : memref<1000000x64xf32, #tpu.memory_space<hbm>> -> memref<128x64xf32, #tpu.memory_space<hbm>>
    tpu.wait_dma2 semaphore(%dma_wait3A_72 : memref<!tpu.dma_semaphore, #tpu.memory_space<semaphore_mem>>) src(%dma_wait3A_79 : memref<128x64xf32, #tpu.memory_space<hbm>>) dst(%dma_wait3A_76 : memref<128x64xf32, #tpu.memory_space<vmem>>)
    %dma_wait3A_80 = arith.constant 0 : i32
    %dma_wait3A_81 = arith.constant 0 : i32
    %dma_wait3A_82 = arith.constant 0 : i32
    %dma_wait3A_83 = arith.constant 0 : i32
    %dma_wait3A_84 = tpu.memref_slice %arg10[%dma_wait3A_80, %dma_wait3A_82, %dma_wait3A_83] : memref<4x128x64xf32, #tpu.memory_space<vmem>> -> memref<1x128x64xf32, #tpu.memory_space<vmem>>
    %dma_wait3A_85 = tpu.memref_squeeze %dma_wait3A_84 : memref<1x128x64xf32, #tpu.memory_space<vmem>> -> memref<128x64xf32, #tpu.memory_space<vmem>>
    %dma_wait3A_86 = arith.constant 0 : i32
    %dma_wait3A_87 = arith.constant 0 : i32
    %dma_wait3A_88 = tpu.memref_slice %arg5[%dma_wait3A_86, %dma_wait3A_87] : memref<100000x64xf32, #tpu.memory_space<hbm>> -> memref<128x64xf32, #tpu.memory_space<hbm>>
    %dma_wait3A_89 = tpu.memref_slice %arg11[%dma_wait3A_81] : memref<4x!tpu.dma_semaphore, #tpu.memory_space<semaphore_mem>> -> memref<1x!tpu.dma_semaphore, #tpu.memory_space<semaphore_mem>>
    %dma_wait3A_90 = tpu.memref_squeeze %dma_wait3A_89 : memref<1x!tpu.dma_semaphore, #tpu.memory_space<semaphore_mem>> -> memref<!tpu.dma_semaphore, #tpu.memory_space<semaphore_mem>>
    %dma_wait3A_91 = arith.constant 0 : i32
    %dma_wait3A_92 = arith.constant 0 : i32
    %dma_wait3A_93 = tpu.memref_slice %arg10[%dma_wait3A_80, %dma_wait3A_91, %dma_wait3A_92] : memref<4x128x64xf32, #tpu.memory_space<vmem>> -> memref<1x128x64xf32, #tpu.memory_space<vmem>>
    %dma_wait3A_94 = tpu.memref_squeeze %dma_wait3A_93 : memref<1x128x64xf32, #tpu.memory_space<vmem>> -> memref<128x64xf32, #tpu.memory_space<vmem>>
    %dma_wait3A_95 = arith.constant 0 : i32
    %dma_wait3A_96 = arith.constant 0 : i32
    %dma_wait3A_97 = tpu.memref_slice %arg5[%dma_wait3A_95, %dma_wait3A_96] : memref<100000x64xf32, #tpu.memory_space<hbm>> -> memref<128x64xf32, #tpu.memory_space<hbm>>
    tpu.wait_dma2 semaphore(%dma_wait3A_90 : memref<!tpu.dma_semaphore, #tpu.memory_space<semaphore_mem>>) src(%dma_wait3A_97 : memref<128x64xf32, #tpu.memory_space<hbm>>) dst(%dma_wait3A_94 : memref<128x64xf32, #tpu.memory_space<vmem>>)
    %add3A_98 = arith.constant 48 : i32
    %add3A_99 = arith.addi %mul3A_2, %add3A_98 : i32
    %mul3A_100 = arith.constant 128 : i32
    %mul3A_101 = arith.muli %add3A_99, %mul3A_100 : i32
    %dma_start3A_102 = arith.constant 0 : i32
    %dma_start3A_103 = arith.constant 0 : i32
    %dma_start3A_104 = arith.constant 0 : i32
    %dma_start3A_105 = arith.constant 0 : i32
    %dma_start3A_106 = tpu.memref_slice %arg9[%dma_start3A_102, %dma_start3A_104, %dma_start3A_105] : memref<4x128x64xf32, #tpu.memory_space<vmem>> -> memref<1x128x64xf32, #tpu.memory_space<vmem>>
    %dma_start3A_107 = tpu.memref_squeeze %dma_start3A_106 : memref<1x128x64xf32, #tpu.memory_space<vmem>> -> memref<128x64xf32, #tpu.memory_space<vmem>>
    %dma_start3A_108 = arith.constant 0 : i32
    %dma_start3A_109 = tpu.memref_slice %arg6[%mul3A_101, %dma_start3A_108] : memref<204800x128xf32, #tpu.memory_space<hbm>> -> memref<128x64xf32, #tpu.memory_space<hbm>>
    %dma_start3A_110 = tpu.memref_slice %arg12[%dma_start3A_103] : memref<4x!tpu.dma_semaphore, #tpu.memory_space<semaphore_mem>> -> memref<1x!tpu.dma_semaphore, #tpu.memory_space<semaphore_mem>>
    %dma_start3A_111 = tpu.memref_squeeze %dma_start3A_110 : memref<1x!tpu.dma_semaphore, #tpu.memory_space<semaphore_mem>> -> memref<!tpu.dma_semaphore, #tpu.memory_space<semaphore_mem>>
    %dma_start3A_112 = arith.constant 0 : i32
    %dma_start3A_113 = tpu.memref_slice %arg6[%mul3A_101, %dma_start3A_112] : memref<204800x128xf32, #tpu.memory_space<hbm>> -> memref<128x64xf32, #tpu.memory_space<hbm>>
    %dma_start3A_114 = arith.constant 0 : i32
    %dma_start3A_115 = arith.constant 0 : i32
    %dma_start3A_116 = tpu.memref_slice %arg9[%dma_start3A_102, %dma_start3A_114, %dma_start3A_115] : memref<4x128x64xf32, #tpu.memory_space<vmem>> -> memref<1x128x64xf32, #tpu.memory_space<vmem>>
    %dma_start3A_117 = tpu.memref_squeeze %dma_start3A_116 : memref<1x128x64xf32, #tpu.memory_space<vmem>> -> memref<128x64xf32, #tpu.memory_space<vmem>>
    tpu.enqueue_dma source(%dma_start3A_117 : memref<128x64xf32, #tpu.memory_space<vmem>>) target(%dma_start3A_113 : memref<128x64xf32, #tpu.memory_space<hbm>>) target_semaphore(%dma_start3A_111 : memref<!tpu.dma_semaphore, #tpu.memory_space<semaphore_mem>>)
    %dma_start3A_118 = arith.constant 0 : i32
    %dma_start3A_119 = arith.constant 0 : i32
    %dma_start3A_120 = arith.constant 0 : i32
    %dma_start3A_121 = arith.constant 0 : i32
    %dma_start3A_122 = tpu.memref_slice %arg10[%dma_start3A_118, %dma_start3A_120, %dma_start3A_121] : memref<4x128x64xf32, #tpu.memory_space<vmem>> -> memref<1x128x64xf32, #tpu.memory_space<vmem>>
    %dma_start3A_123 = tpu.memref_squeeze %dma_start3A_122 : memref<1x128x64xf32, #tpu.memory_space<vmem>> -> memref<128x64xf32, #tpu.memory_space<vmem>>
    %dma_start3A_124 = arith.constant 64 : i32
    %dma_start3A_125 = tpu.memref_slice %arg6[%mul3A_101, %dma_start3A_124] : memref<204800x128xf32, #tpu.memory_space<hbm>> -> memref<128x64xf32, #tpu.memory_space<hbm>>
    %dma_start3A_126 = tpu.memref_slice %arg12[%dma_start3A_119] : memref<4x!tpu.dma_semaphore, #tpu.memory_space<semaphore_mem>> -> memref<1x!tpu.dma_semaphore, #tpu.memory_space<semaphore_mem>>
    %dma_start3A_127 = tpu.memref_squeeze %dma_start3A_126 : memref<1x!tpu.dma_semaphore, #tpu.memory_space<semaphore_mem>> -> memref<!tpu.dma_semaphore, #tpu.memory_space<semaphore_mem>>
    %dma_start3A_128 = arith.constant 64 : i32
    %dma_start3A_129 = tpu.memref_slice %arg6[%mul3A_101, %dma_start3A_128] : memref<204800x128xf32, #tpu.memory_space<hbm>> -> memref<128x64xf32, #tpu.memory_space<hbm>>
    %dma_start3A_130 = arith.constant 0 : i32
    %dma_start3A_131 = arith.constant 0 : i32
    %dma_start3A_132 = tpu.memref_slice %arg10[%dma_start3A_118, %dma_start3A_130, %dma_start3A_131] : memref<4x128x64xf32, #tpu.memory_space<vmem>> -> memref<1x128x64xf32, #tpu.memory_space<vmem>>
    %dma_start3A_133 = tpu.memref_squeeze %dma_start3A_132 : memref<1x128x64xf32, #tpu.memory_space<vmem>> -> memref<128x64xf32, #tpu.memory_space<vmem>>
    tpu.enqueue_dma source(%dma_start3A_133 : memref<128x64xf32, #tpu.memory_space<vmem>>) target(%dma_start3A_129 : memref<128x64xf32, #tpu.memory_space<hbm>>) target_semaphore(%dma_start3A_127 : memref<!tpu.dma_semaphore, #tpu.memory_space<semaphore_mem>>)
    %dma_wait3A_134 = arith.constant 1 : i32
    %dma_wait3A_135 = arith.constant 1 : i32
    %dma_wait3A_136 = arith.constant 0 : i32
    %dma_wait3A_137 = arith.constant 0 : i32
    %dma_wait3A_138 = tpu.memref_slice %arg9[%dma_wait3A_134, %dma_wait3A_136, %dma_wait3A_137] : memref<4x128x64xf32, #tpu.memory_space<vmem>> -> memref<1x128x64xf32, #tpu.memory_space<vmem>>
    %dma_wait3A_139 = tpu.memref_squeeze %dma_wait3A_138 : memref<1x128x64xf32, #tpu.memory_space<vmem>> -> memref<128x64xf32, #tpu.memory_space<vmem>>
    %dma_wait3A_140 = arith.constant 0 : i32
    %dma_wait3A_141 = arith.constant 0 : i32
    %dma_wait3A_142 = tpu.memref_slice %arg4[%dma_wait3A_140, %dma_wait3A_141] : memref<1000000x64xf32, #tpu.memory_space<hbm>> -> memref<128x64xf32, #tpu.memory_space<hbm>>
    %dma_wait3A_143 = tpu.memref_slice %arg11[%dma_wait3A_135] : memref<4x!tpu.dma_semaphore, #tpu.memory_space<semaphore_mem>> -> memref<1x!tpu.dma_semaphore, #tpu.memory_space<semaphore_mem>>
    %dma_wait3A_144 = tpu.memref_squeeze %dma_wait3A_143 : memref<1x!tpu.dma_semaphore, #tpu.memory_space<semaphore_mem>> -> memref<!tpu.dma_semaphore, #tpu.memory_space<semaphore_mem>>
    %dma_wait3A_145 = arith.constant 0 : i32
    %dma_wait3A_146 = arith.constant 0 : i32
    %dma_wait3A_147 = tpu.memref_slice %arg9[%dma_wait3A_134, %dma_wait3A_145, %dma_wait3A_146] : memref<4x128x64xf32, #tpu.memory_space<vmem>> -> memref<1x128x64xf32, #tpu.memory_space<vmem>>
    %dma_wait3A_148 = tpu.memref_squeeze %dma_wait3A_147 : memref<1x128x64xf32, #tpu.memory_space<vmem>> -> memref<128x64xf32, #tpu.memory_space<vmem>>
    %dma_wait3A_149 = arith.constant 0 : i32
    %dma_wait3A_150 = arith.constant 0 : i32
    %dma_wait3A_151 = tpu.memref_slice %arg4[%dma_wait3A_149, %dma_wait3A_150] : memref<1000000x64xf32, #tpu.memory_space<hbm>> -> memref<128x64xf32, #tpu.memory_space<hbm>>
    tpu.wait_dma2 semaphore(%dma_wait3A_144 : memref<!tpu.dma_semaphore, #tpu.memory_space<semaphore_mem>>) src(%dma_wait3A_151 : memref<128x64xf32, #tpu.memory_space<hbm>>) dst(%dma_wait3A_148 : memref<128x64xf32, #tpu.memory_space<vmem>>)
    %dma_wait3A_152 = arith.constant 1 : i32
    %dma_wait3A_153 = arith.constant 1 : i32
    %dma_wait3A_154 = arith.constant 0 : i32
    %dma_wait3A_155 = arith.constant 0 : i32
    %dma_wait3A_156 = tpu.memref_slice %arg10[%dma_wait3A_152, %dma_wait3A_154, %dma_wait3A_155] : memref<4x128x64xf32, #tpu.memory_space<vmem>> -> memref<1x128x64xf32, #tpu.memory_space<vmem>>
    %dma_wait3A_157 = tpu.memref_squeeze %dma_wait3A_156 : memref<1x128x64xf32, #tpu.memory_space<vmem>> -> memref<128x64xf32, #tpu.memory_space<vmem>>
    %dma_wait3A_158 = arith.constant 0 : i32
    %dma_wait3A_159 = arith.constant 0 : i32
    %dma_wait3A_160 = tpu.memref_slice %arg5[%dma_wait3A_158, %dma_wait3A_159] : memref<100000x64xf32, #tpu.memory_space<hbm>> -> memref<128x64xf32, #tpu.memory_space<hbm>>
    %dma_wait3A_161 = tpu.memref_slice %arg11[%dma_wait3A_153] : memref<4x!tpu.dma_semaphore, #tpu.memory_space<semaphore_mem>> -> memref<1x!tpu.dma_semaphore, #tpu.memory_space<semaphore_mem>>
    %dma_wait3A_162 = tpu.memref_squeeze %dma_wait3A_161 : memref<1x!tpu.dma_semaphore, #tpu.memory_space<semaphore_mem>> -> memref<!tpu.dma_semaphore, #tpu.memory_space<semaphore_mem>>
    %dma_wait3A_163 = arith.constant 0 : i32
    %dma_wait3A_164 = arith.constant 0 : i32
    %dma_wait3A_165 = tpu.memref_slice %arg10[%dma_wait3A_152, %dma_wait3A_163, %dma_wait3A_164] : memref<4x128x64xf32, #tpu.memory_space<vmem>> -> memref<1x128x64xf32, #tpu.memory_space<vmem>>
    %dma_wait3A_166 = tpu.memref_squeeze %dma_wait3A_165 : memref<1x128x64xf32, #tpu.memory_space<vmem>> -> memref<128x64xf32, #tpu.memory_space<vmem>>
    %dma_wait3A_167 = arith.constant 0 : i32
    %dma_wait3A_168 = arith.constant 0 : i32
    %dma_wait3A_169 = tpu.memref_slice %arg5[%dma_wait3A_167, %dma_wait3A_168] : memref<100000x64xf32, #tpu.memory_space<hbm>> -> memref<128x64xf32, #tpu.memory_space<hbm>>
    tpu.wait_dma2 semaphore(%dma_wait3A_162 : memref<!tpu.dma_semaphore, #tpu.memory_space<semaphore_mem>>) src(%dma_wait3A_169 : memref<128x64xf32, #tpu.memory_space<hbm>>) dst(%dma_wait3A_166 : memref<128x64xf32, #tpu.memory_space<vmem>>)
    %add3A_170 = arith.constant 49 : i32
    %add3A_171 = arith.addi %mul3A_2, %add3A_170 : i32
    %mul3A_172 = arith.constant 128 : i32
    %mul3A_173 = arith.muli %add3A_171, %mul3A_172 : i32
    %dma_start3A_174 = arith.constant 1 : i32
    %dma_start3A_175 = arith.constant 1 : i32
    %dma_start3A_176 = arith.constant 0 : i32
    %dma_start3A_177 = arith.constant 0 : i32
    %dma_start3A_178 = tpu.memref_slice %arg9[%dma_start3A_174, %dma_start3A_176, %dma_start3A_177] : memref<4x128x64xf32, #tpu.memory_space<vmem>> -> memref<1x128x64xf32, #tpu.memory_space<vmem>>
    %dma_start3A_179 = tpu.memref_squeeze %dma_start3A_178 : memref<1x128x64xf32, #tpu.memory_space<vmem>> -> memref<128x64xf32, #tpu.memory_space<vmem>>
    %dma_start3A_180 = arith.constant 0 : i32
    %dma_start3A_181 = tpu.memref_slice %arg6[%mul3A_173, %dma_start3A_180] : memref<204800x128xf32, #tpu.memory_space<hbm>> -> memref<128x64xf32, #tpu.memory_space<hbm>>
    %dma_start3A_182 = tpu.memref_slice %arg12[%dma_start3A_175] : memref<4x!tpu.dma_semaphore, #tpu.memory_space<semaphore_mem>> -> memref<1x!tpu.dma_semaphore, #tpu.memory_space<semaphore_mem>>
    %dma_start3A_183 = tpu.memref_squeeze %dma_start3A_182 : memref<1x!tpu.dma_semaphore, #tpu.memory_space<semaphore_mem>> -> memref<!tpu.dma_semaphore, #tpu.memory_space<semaphore_mem>>
    %dma_start3A_184 = arith.constant 0 : i32
    %dma_start3A_185 = tpu.memref_slice %arg6[%mul3A_173, %dma_start3A_184] : memref<204800x128xf32, #tpu.memory_space<hbm>> -> memref<128x64xf32, #tpu.memory_space<hbm>>
    %dma_start3A_186 = arith.constant 0 : i32
    %dma_start3A_187 = arith.constant 0 : i32
    %dma_start3A_188 = tpu.memref_slice %arg9[%dma_start3A_174, %dma_start3A_186, %dma_start3A_187] : memref<4x128x64xf32, #tpu.memory_space<vmem>> -> memref<1x128x64xf32, #tpu.memory_space<vmem>>
    %dma_start3A_189 = tpu.memref_squeeze %dma_start3A_188 : memref<1x128x64xf32, #tpu.memory_space<vmem>> -> memref<128x64xf32, #tpu.memory_space<vmem>>
    tpu.enqueue_dma source(%dma_start3A_189 : memref<128x64xf32, #tpu.memory_space<vmem>>) target(%dma_start3A_185 : memref<128x64xf32, #tpu.memory_space<hbm>>) target_semaphore(%dma_start3A_183 : memref<!tpu.dma_semaphore, #tpu.memory_space<semaphore_mem>>)
    %dma_start3A_190 = arith.constant 1 : i32
    %dma_start3A_191 = arith.constant 1 : i32
    %dma_start3A_192 = arith.constant 0 : i32
    %dma_start3A_193 = arith.constant 0 : i32
    %dma_start3A_194 = tpu.memref_slice %arg10[%dma_start3A_190, %dma_start3A_192, %dma_start3A_193] : memref<4x128x64xf32, #tpu.memory_space<vmem>> -> memref<1x128x64xf32, #tpu.memory_space<vmem>>
    %dma_start3A_195 = tpu.memref_squeeze %dma_start3A_194 : memref<1x128x64xf32, #tpu.memory_space<vmem>> -> memref<128x64xf32, #tpu.memory_space<vmem>>
    %dma_start3A_196 = arith.constant 64 : i32
    %dma_start3A_197 = tpu.memref_slice %arg6[%mul3A_173, %dma_start3A_196] : memref<204800x128xf32, #tpu.memory_space<hbm>> -> memref<128x64xf32, #tpu.memory_space<hbm>>
    %dma_start3A_198 = tpu.memref_slice %arg12[%dma_start3A_191] : memref<4x!tpu.dma_semaphore, #tpu.memory_space<semaphore_mem>> -> memref<1x!tpu.dma_semaphore, #tpu.memory_space<semaphore_mem>>
    %dma_start3A_199 = tpu.memref_squeeze %dma_start3A_198 : memref<1x!tpu.dma_semaphore, #tpu.memory_space<semaphore_mem>> -> memref<!tpu.dma_semaphore, #tpu.memory_space<semaphore_mem>>
    %dma_start3A_200 = arith.constant 64 : i32
    %dma_start3A_201 = tpu.memref_slice %arg6[%mul3A_173, %dma_start3A_200] : memref<204800x128xf32, #tpu.memory_space<hbm>> -> memref<128x64xf32, #tpu.memory_space<hbm>>
    %dma_start3A_202 = arith.constant 0 : i32
    %dma_start3A_203 = arith.constant 0 : i32
    %dma_start3A_204 = tpu.memref_slice %arg10[%dma_start3A_190, %dma_start3A_202, %dma_start3A_203] : memref<4x128x64xf32, #tpu.memory_space<vmem>> -> memref<1x128x64xf32, #tpu.memory_space<vmem>>
    %dma_start3A_205 = tpu.memref_squeeze %dma_start3A_204 : memref<1x128x64xf32, #tpu.memory_space<vmem>> -> memref<128x64xf32, #tpu.memory_space<vmem>>
    tpu.enqueue_dma source(%dma_start3A_205 : memref<128x64xf32, #tpu.memory_space<vmem>>) target(%dma_start3A_201 : memref<128x64xf32, #tpu.memory_space<hbm>>) target_semaphore(%dma_start3A_199 : memref<!tpu.dma_semaphore, #tpu.memory_space<semaphore_mem>>)
    %mul3A_206 = arith.constant 128 : i32
    %mul3A_207 = arith.muli %mul3A_2, %mul3A_206 : i32
    %dma_wait3A_208 = arith.constant 0 : i32
    %dma_wait3A_209 = arith.constant 0 : i32
    %dma_wait3A_210 = arith.constant 0 : i32
    %dma_wait3A_211 = arith.constant 0 : i32
    %dma_wait3A_212 = tpu.memref_slice %arg9[%dma_wait3A_208, %dma_wait3A_210, %dma_wait3A_211] : memref<4x128x64xf32, #tpu.memory_space<vmem>> -> memref<1x128x64xf32, #tpu.memory_space<vmem>>
    %dma_wait3A_213 = tpu.memref_squeeze %dma_wait3A_212 : memref<1x128x64xf32, #tpu.memory_space<vmem>> -> memref<128x64xf32, #tpu.memory_space<vmem>>
    %dma_wait3A_214 = arith.constant 0 : i32
    %dma_wait3A_215 = tpu.memref_slice %arg6[%mul3A_207, %dma_wait3A_214] : memref<204800x128xf32, #tpu.memory_space<hbm>> -> memref<128x64xf32, #tpu.memory_space<hbm>>
    %dma_wait3A_216 = tpu.memref_slice %arg12[%dma_wait3A_209] : memref<4x!tpu.dma_semaphore, #tpu.memory_space<semaphore_mem>> -> memref<1x!tpu.dma_semaphore, #tpu.memory_space<semaphore_mem>>
    %dma_wait3A_217 = tpu.memref_squeeze %dma_wait3A_216 : memref<1x!tpu.dma_semaphore, #tpu.memory_space<semaphore_mem>> -> memref<!tpu.dma_semaphore, #tpu.memory_space<semaphore_mem>>
    %dma_wait3A_218 = arith.constant 0 : i32
    %dma_wait3A_219 = tpu.memref_slice %arg6[%mul3A_207, %dma_wait3A_218] : memref<204800x128xf32, #tpu.memory_space<hbm>> -> memref<128x64xf32, #tpu.memory_space<hbm>>
    %dma_wait3A_220 = arith.constant 0 : i32
    %dma_wait3A_221 = arith.constant 0 : i32
    %dma_wait3A_222 = tpu.memref_slice %arg9[%dma_wait3A_208, %dma_wait3A_220, %dma_wait3A_221] : memref<4x128x64xf32, #tpu.memory_space<vmem>> -> memref<1x128x64xf32, #tpu.memory_space<vmem>>
    %dma_wait3A_223 = tpu.memref_squeeze %dma_wait3A_222 : memref<1x128x64xf32, #tpu.memory_space<vmem>> -> memref<128x64xf32, #tpu.memory_space<vmem>>
    tpu.wait_dma2 semaphore(%dma_wait3A_217 : memref<!tpu.dma_semaphore, #tpu.memory_space<semaphore_mem>>) src(%dma_wait3A_223 : memref<128x64xf32, #tpu.memory_space<vmem>>) dst(%dma_wait3A_219 : memref<128x64xf32, #tpu.memory_space<hbm>>)
    %dma_wait3A_224 = arith.constant 0 : i32
    %dma_wait3A_225 = arith.constant 0 : i32
    %dma_wait3A_226 = arith.constant 0 : i32
    %dma_wait3A_227 = arith.constant 0 : i32
    %dma_wait3A_228 = tpu.memref_slice %arg10[%dma_wait3A_224, %dma_wait3A_226, %dma_wait3A_227] : memref<4x128x64xf32, #tpu.memory_space<vmem>> -> memref<1x128x64xf32, #tpu.memory_space<vmem>>
    %dma_wait3A_229 = tpu.memref_squeeze %dma_wait3A_228 : memref<1x128x64xf32, #tpu.memory_space<vmem>> -> memref<128x64xf32, #tpu.memory_space<vmem>>
    %dma_wait3A_230 = arith.constant 64 : i32
    %dma_wait3A_231 = tpu.memref_slice %arg6[%mul3A_207, %dma_wait3A_230] : memref<204800x128xf32, #tpu.memory_space<hbm>> -> memref<128x64xf32, #tpu.memory_space<hbm>>
    %dma_wait3A_232 = tpu.memref_slice %arg12[%dma_wait3A_225] : memref<4x!tpu.dma_semaphore, #tpu.memory_space<semaphore_mem>> -> memref<1x!tpu.dma_semaphore, #tpu.memory_space<semaphore_mem>>
    %dma_wait3A_233 = tpu.memref_squeeze %dma_wait3A_232 : memref<1x!tpu.dma_semaphore, #tpu.memory_space<semaphore_mem>> -> memref<!tpu.dma_semaphore, #tpu.memory_space<semaphore_mem>>
    %dma_wait3A_234 = arith.constant 64 : i32
    %dma_wait3A_235 = tpu.memref_slice %arg6[%mul3A_207, %dma_wait3A_234] : memref<204800x128xf32, #tpu.memory_space<hbm>> -> memref<128x64xf32, #tpu.memory_space<hbm>>
    %dma_wait3A_236 = arith.constant 0 : i32
    %dma_wait3A_237 = arith.constant 0 : i32
    %dma_wait3A_238 = tpu.memref_slice %arg10[%dma_wait3A_224, %dma_wait3A_236, %dma_wait3A_237] : memref<4x128x64xf32, #tpu.memory_space<vmem>> -> memref<1x128x64xf32, #tpu.memory_space<vmem>>
    %dma_wait3A_239 = tpu.memref_squeeze %dma_wait3A_238 : memref<1x128x64xf32, #tpu.memory_space<vmem>> -> memref<128x64xf32, #tpu.memory_space<vmem>>
    tpu.wait_dma2 semaphore(%dma_wait3A_233 : memref<!tpu.dma_semaphore, #tpu.memory_space<semaphore_mem>>) src(%dma_wait3A_239 : memref<128x64xf32, #tpu.memory_space<vmem>>) dst(%dma_wait3A_235 : memref<128x64xf32, #tpu.memory_space<hbm>>)
    %mul3A_240 = arith.constant 128 : i32
    %mul3A_241 = arith.muli %mul3A_2, %mul3A_240 : i32
    %dma_wait3A_242 = arith.constant 1 : i32
    %dma_wait3A_243 = arith.constant 1 : i32
    %dma_wait3A_244 = arith.constant 0 : i32
    %dma_wait3A_245 = arith.constant 0 : i32
    %dma_wait3A_246 = tpu.memref_slice %arg9[%dma_wait3A_242, %dma_wait3A_244, %dma_wait3A_245] : memref<4x128x64xf32, #tpu.memory_space<vmem>> -> memref<1x128x64xf32, #tpu.memory_space<vmem>>
    %dma_wait3A_247 = tpu.memref_squeeze %dma_wait3A_246 : memref<1x128x64xf32, #tpu.memory_space<vmem>> -> memref<128x64xf32, #tpu.memory_space<vmem>>
    %dma_wait3A_248 = arith.constant 0 : i32
    %dma_wait3A_249 = tpu.memref_slice %arg6[%mul3A_241, %dma_wait3A_248] : memref<204800x128xf32, #tpu.memory_space<hbm>> -> memref<128x64xf32, #tpu.memory_space<hbm>>
    %dma_wait3A_250 = tpu.memref_slice %arg12[%dma_wait3A_243] : memref<4x!tpu.dma_semaphore, #tpu.memory_space<semaphore_mem>> -> memref<1x!tpu.dma_semaphore, #tpu.memory_space<semaphore_mem>>
    %dma_wait3A_251 = tpu.memref_squeeze %dma_wait3A_250 : memref<1x!tpu.dma_semaphore, #tpu.memory_space<semaphore_mem>> -> memref<!tpu.dma_semaphore, #tpu.memory_space<semaphore_mem>>
    %dma_wait3A_252 = arith.constant 0 : i32
    %dma_wait3A_253 = tpu.memref_slice %arg6[%mul3A_241, %dma_wait3A_252] : memref<204800x128xf32, #tpu.memory_space<hbm>> -> memref<128x64xf32, #tpu.memory_space<hbm>>
    %dma_wait3A_254 = arith.constant 0 : i32
    %dma_wait3A_255 = arith.constant 0 : i32
    %dma_wait3A_256 = tpu.memref_slice %arg9[%dma_wait3A_242, %dma_wait3A_254, %dma_wait3A_255] : memref<4x128x64xf32, #tpu.memory_space<vmem>> -> memref<1x128x64xf32, #tpu.memory_space<vmem>>
    %dma_wait3A_257 = tpu.memref_squeeze %dma_wait3A_256 : memref<1x128x64xf32, #tpu.memory_space<vmem>> -> memref<128x64xf32, #tpu.memory_space<vmem>>
    tpu.wait_dma2 semaphore(%dma_wait3A_251 : memref<!tpu.dma_semaphore, #tpu.memory_space<semaphore_mem>>) src(%dma_wait3A_257 : memref<128x64xf32, #tpu.memory_space<vmem>>) dst(%dma_wait3A_253 : memref<128x64xf32, #tpu.memory_space<hbm>>)
    %dma_wait3A_258 = arith.constant 1 : i32
    %dma_wait3A_259 = arith.constant 1 : i32
    %dma_wait3A_260 = arith.constant 0 : i32
    %dma_wait3A_261 = arith.constant 0 : i32
    %dma_wait3A_262 = tpu.memref_slice %arg10[%dma_wait3A_258, %dma_wait3A_260, %dma_wait3A_261] : memref<4x128x64xf32, #tpu.memory_space<vmem>> -> memref<1x128x64xf32, #tpu.memory_space<vmem>>
    %dma_wait3A_263 = tpu.memref_squeeze %dma_wait3A_262 : memref<1x128x64xf32, #tpu.memory_space<vmem>> -> memref<128x64xf32, #tpu.memory_space<vmem>>
    %dma_wait3A_264 = arith.constant 64 : i32
    %dma_wait3A_265 = tpu.memref_slice %arg6[%mul3A_241, %dma_wait3A_264] : memref<204800x128xf32, #tpu.memory_space<hbm>> -> memref<128x64xf32, #tpu.memory_space<hbm>>
    %dma_wait3A_266 = tpu.memref_slice %arg12[%dma_wait3A_259] : memref<4x!tpu.dma_semaphore, #tpu.memory_space<semaphore_mem>> -> memref<1x!tpu.dma_semaphore, #tpu.memory_space<semaphore_mem>>
    %dma_wait3A_267 = tpu.memref_squeeze %dma_wait3A_266 : memref<1x!tpu.dma_semaphore, #tpu.memory_space<semaphore_mem>> -> memref<!tpu.dma_semaphore, #tpu.memory_space<semaphore_mem>>
    %dma_wait3A_268 = arith.constant 64 : i32
    %dma_wait3A_269 = tpu.memref_slice %arg6[%mul3A_241, %dma_wait3A_268] : memref<204800x128xf32, #tpu.memory_space<hbm>> -> memref<128x64xf32, #tpu.memory_space<hbm>>
    %dma_wait3A_270 = arith.constant 0 : i32
    %dma_wait3A_271 = arith.constant 0 : i32
    %dma_wait3A_272 = tpu.memref_slice %arg10[%dma_wait3A_258, %dma_wait3A_270, %dma_wait3A_271] : memref<4x128x64xf32, #tpu.memory_space<vmem>> -> memref<1x128x64xf32, #tpu.memory_space<vmem>>
    %dma_wait3A_273 = tpu.memref_squeeze %dma_wait3A_272 : memref<1x128x64xf32, #tpu.memory_space<vmem>> -> memref<128x64xf32, #tpu.memory_space<vmem>>
    tpu.wait_dma2 semaphore(%dma_wait3A_267 : memref<!tpu.dma_semaphore, #tpu.memory_space<semaphore_mem>>) src(%dma_wait3A_273 : memref<128x64xf32, #tpu.memory_space<vmem>>) dst(%dma_wait3A_269 : memref<128x64xf32, #tpu.memory_space<hbm>>)
    %mul3A_274 = arith.constant 128 : i32
    %mul3A_275 = arith.muli %mul3A_2, %mul3A_274 : i32
    %dma_wait3A_276 = arith.constant 2 : i32
    %dma_wait3A_277 = arith.constant 2 : i32
    %dma_wait3A_278 = arith.constant 0 : i32
    %dma_wait3A_279 = arith.constant 0 : i32
    %dma_wait3A_280 = tpu.memref_slice %arg9[%dma_wait3A_276, %dma_wait3A_278, %dma_wait3A_279] : memref<4x128x64xf32, #tpu.memory_space<vmem>> -> memref<1x128x64xf32, #tpu.memory_space<vmem>>
    %dma_wait3A_281 = tpu.memref_squeeze %dma_wait3A_280 : memref<1x128x64xf32, #tpu.memory_space<vmem>> -> memref<128x64xf32, #tpu.memory_space<vmem>>
    %dma_wait3A_282 = arith.constant 0 : i32
    %dma_wait3A_283 = tpu.memref_slice %arg6[%mul3A_275, %dma_wait3A_282] : memref<204800x128xf32, #tpu.memory_space<hbm>> -> memref<128x64xf32, #tpu.memory_space<hbm>>
    %dma_wait3A_284 = tpu.memref_slice %arg12[%dma_wait3A_277] : memref<4x!tpu.dma_semaphore, #tpu.memory_space<semaphore_mem>> -> memref<1x!tpu.dma_semaphore, #tpu.memory_space<semaphore_mem>>
    %dma_wait3A_285 = tpu.memref_squeeze %dma_wait3A_284 : memref<1x!tpu.dma_semaphore, #tpu.memory_space<semaphore_mem>> -> memref<!tpu.dma_semaphore, #tpu.memory_space<semaphore_mem>>
    %dma_wait3A_286 = arith.constant 0 : i32
    %dma_wait3A_287 = tpu.memref_slice %arg6[%mul3A_275, %dma_wait3A_286] : memref<204800x128xf32, #tpu.memory_space<hbm>> -> memref<128x64xf32, #tpu.memory_space<hbm>>
    %dma_wait3A_288 = arith.constant 0 : i32
    %dma_wait3A_289 = arith.constant 0 : i32
    %dma_wait3A_290 = tpu.memref_slice %arg9[%dma_wait3A_276, %dma_wait3A_288, %dma_wait3A_289] : memref<4x128x64xf32, #tpu.memory_space<vmem>> -> memref<1x128x64xf32, #tpu.memory_space<vmem>>
    %dma_wait3A_291 = tpu.memref_squeeze %dma_wait3A_290 : memref<1x128x64xf32, #tpu.memory_space<vmem>> -> memref<128x64xf32, #tpu.memory_space<vmem>>
    tpu.wait_dma2 semaphore(%dma_wait3A_285 : memref<!tpu.dma_semaphore, #tpu.memory_space<semaphore_mem>>) src(%dma_wait3A_291 : memref<128x64xf32, #tpu.memory_space<vmem>>) dst(%dma_wait3A_287 : memref<128x64xf32, #tpu.memory_space<hbm>>)
    %dma_wait3A_292 = arith.constant 2 : i32
    %dma_wait3A_293 = arith.constant 2 : i32
    %dma_wait3A_294 = arith.constant 0 : i32
    %dma_wait3A_295 = arith.constant 0 : i32
    %dma_wait3A_296 = tpu.memref_slice %arg10[%dma_wait3A_292, %dma_wait3A_294, %dma_wait3A_295] : memref<4x128x64xf32, #tpu.memory_space<vmem>> -> memref<1x128x64xf32, #tpu.memory_space<vmem>>
    %dma_wait3A_297 = tpu.memref_squeeze %dma_wait3A_296 : memref<1x128x64xf32, #tpu.memory_space<vmem>> -> memref<128x64xf32, #tpu.memory_space<vmem>>
    %dma_wait3A_298 = arith.constant 64 : i32
    %dma_wait3A_299 = tpu.memref_slice %arg6[%mul3A_275, %dma_wait3A_298] : memref<204800x128xf32, #tpu.memory_space<hbm>> -> memref<128x64xf32, #tpu.memory_space<hbm>>
    %dma_wait3A_300 = tpu.memref_slice %arg12[%dma_wait3A_293] : memref<4x!tpu.dma_semaphore, #tpu.memory_space<semaphore_mem>> -> memref<1x!tpu.dma_semaphore, #tpu.memory_space<semaphore_mem>>
    %dma_wait3A_301 = tpu.memref_squeeze %dma_wait3A_300 : memref<1x!tpu.dma_semaphore, #tpu.memory_space<semaphore_mem>> -> memref<!tpu.dma_semaphore, #tpu.memory_space<semaphore_mem>>
    %dma_wait3A_302 = arith.constant 64 : i32
    %dma_wait3A_303 = tpu.memref_slice %arg6[%mul3A_275, %dma_wait3A_302] : memref<204800x128xf32, #tpu.memory_space<hbm>> -> memref<128x64xf32, #tpu.memory_space<hbm>>
    %dma_wait3A_304 = arith.constant 0 : i32
    %dma_wait3A_305 = arith.constant 0 : i32
    %dma_wait3A_306 = tpu.memref_slice %arg10[%dma_wait3A_292, %dma_wait3A_304, %dma_wait3A_305] : memref<4x128x64xf32, #tpu.memory_space<vmem>> -> memref<1x128x64xf32, #tpu.memory_space<vmem>>
    %dma_wait3A_307 = tpu.memref_squeeze %dma_wait3A_306 : memref<1x128x64xf32, #tpu.memory_space<vmem>> -> memref<128x64xf32, #tpu.memory_space<vmem>>
    tpu.wait_dma2 semaphore(%dma_wait3A_301 : memref<!tpu.dma_semaphore, #tpu.memory_space<semaphore_mem>>) src(%dma_wait3A_307 : memref<128x64xf32, #tpu.memory_space<vmem>>) dst(%dma_wait3A_303 : memref<128x64xf32, #tpu.memory_space<hbm>>)
    %mul3A_308 = arith.constant 128 : i32
    %mul3A_309 = arith.muli %mul3A_2, %mul3A_308 : i32
    %dma_wait3A_310 = arith.constant 3 : i32
    %dma_wait3A_311 = arith.constant 3 : i32
    %dma_wait3A_312 = arith.constant 0 : i32
    %dma_wait3A_313 = arith.constant 0 : i32
    %dma_wait3A_314 = tpu.memref_slice %arg9[%dma_wait3A_310, %dma_wait3A_312, %dma_wait3A_313] : memref<4x128x64xf32, #tpu.memory_space<vmem>> -> memref<1x128x64xf32, #tpu.memory_space<vmem>>
    %dma_wait3A_315 = tpu.memref_squeeze %dma_wait3A_314 : memref<1x128x64xf32, #tpu.memory_space<vmem>> -> memref<128x64xf32, #tpu.memory_space<vmem>>
    %dma_wait3A_316 = arith.constant 0 : i32
    %dma_wait3A_317 = tpu.memref_slice %arg6[%mul3A_309, %dma_wait3A_316] : memref<204800x128xf32, #tpu.memory_space<hbm>> -> memref<128x64xf32, #tpu.memory_space<hbm>>
    %dma_wait3A_318 = tpu.memref_slice %arg12[%dma_wait3A_311] : memref<4x!tpu.dma_semaphore, #tpu.memory_space<semaphore_mem>> -> memref<1x!tpu.dma_semaphore, #tpu.memory_space<semaphore_mem>>
    %dma_wait3A_319 = tpu.memref_squeeze %dma_wait3A_318 : memref<1x!tpu.dma_semaphore, #tpu.memory_space<semaphore_mem>> -> memref<!tpu.dma_semaphore, #tpu.memory_space<semaphore_mem>>
    %dma_wait3A_320 = arith.constant 0 : i32
    %dma_wait3A_321 = tpu.memref_slice %arg6[%mul3A_309, %dma_wait3A_320] : memref<204800x128xf32, #tpu.memory_space<hbm>> -> memref<128x64xf32, #tpu.memory_space<hbm>>
    %dma_wait3A_322 = arith.constant 0 : i32
    %dma_wait3A_323 = arith.constant 0 : i32
    %dma_wait3A_324 = tpu.memref_slice %arg9[%dma_wait3A_310, %dma_wait3A_322, %dma_wait3A_323] : memref<4x128x64xf32, #tpu.memory_space<vmem>> -> memref<1x128x64xf32, #tpu.memory_space<vmem>>
    %dma_wait3A_325 = tpu.memref_squeeze %dma_wait3A_324 : memref<1x128x64xf32, #tpu.memory_space<vmem>> -> memref<128x64xf32, #tpu.memory_space<vmem>>
    tpu.wait_dma2 semaphore(%dma_wait3A_319 : memref<!tpu.dma_semaphore, #tpu.memory_space<semaphore_mem>>) src(%dma_wait3A_325 : memref<128x64xf32, #tpu.memory_space<vmem>>) dst(%dma_wait3A_321 : memref<128x64xf32, #tpu.memory_space<hbm>>)
    %dma_wait3A_326 = arith.constant 3 : i32
    %dma_wait3A_327 = arith.constant 3 : i32
    %dma_wait3A_328 = arith.constant 0 : i32
    %dma_wait3A_329 = arith.constant 0 : i32
    %dma_wait3A_330 = tpu.memref_slice %arg10[%dma_wait3A_326, %dma_wait3A_328, %dma_wait3A_329] : memref<4x128x64xf32, #tpu.memory_space<vmem>> -> memref<1x128x64xf32, #tpu.memory_space<vmem>>
    %dma_wait3A_331 = tpu.memref_squeeze %dma_wait3A_330 : memref<1x128x64xf32, #tpu.memory_space<vmem>> -> memref<128x64xf32, #tpu.memory_space<vmem>>
    %dma_wait3A_332 = arith.constant 64 : i32
    %dma_wait3A_333 = tpu.memref_slice %arg6[%mul3A_309, %dma_wait3A_332] : memref<204800x128xf32, #tpu.memory_space<hbm>> -> memref<128x64xf32, #tpu.memory_space<hbm>>
    %dma_wait3A_334 = tpu.memref_slice %arg12[%dma_wait3A_327] : memref<4x!tpu.dma_semaphore, #tpu.memory_space<semaphore_mem>> -> memref<1x!tpu.dma_semaphore, #tpu.memory_space<semaphore_mem>>
    %dma_wait3A_335 = tpu.memref_squeeze %dma_wait3A_334 : memref<1x!tpu.dma_semaphore, #tpu.memory_space<semaphore_mem>> -> memref<!tpu.dma_semaphore, #tpu.memory_space<semaphore_mem>>
    %dma_wait3A_336 = arith.constant 64 : i32
    %dma_wait3A_337 = tpu.memref_slice %arg6[%mul3A_309, %dma_wait3A_336] : memref<204800x128xf32, #tpu.memory_space<hbm>> -> memref<128x64xf32, #tpu.memory_space<hbm>>
    %dma_wait3A_338 = arith.constant 0 : i32
    %dma_wait3A_339 = arith.constant 0 : i32
    %dma_wait3A_340 = tpu.memref_slice %arg10[%dma_wait3A_326, %dma_wait3A_338, %dma_wait3A_339] : memref<4x128x64xf32, #tpu.memory_space<vmem>> -> memref<1x128x64xf32, #tpu.memory_space<vmem>>
    %dma_wait3A_341 = tpu.memref_squeeze %dma_wait3A_340 : memref<1x128x64xf32, #tpu.memory_space<vmem>> -> memref<128x64xf32, #tpu.memory_space<vmem>>
    tpu.wait_dma2 semaphore(%dma_wait3A_335 : memref<!tpu.dma_semaphore, #tpu.memory_space<semaphore_mem>>) src(%dma_wait3A_341 : memref<128x64xf32, #tpu.memory_space<vmem>>) dst(%dma_wait3A_337 : memref<128x64xf32, #tpu.memory_space<hbm>>)
    return
  }
}

</mosaic_0001>

<sc_bundles>
// kernel: kernel.3.cloned.1.call-start
scs
__scs_entry_jumppad:
0x0: {  	(pc) =	sbr.rel $0x88, $3  }
0x1: {  	(tag) =	ssettag $0x0;
	lr =	simm.s32 $0x1  }
0x2: {  	[smem:$0x3F9D] =	sst lr;
	_ =	strace $0xD0000000  }
0x3: {  	_ = 	snop  }
0x4: {  	_ = 	snop  }
0x5: {  	_ = 	snop  }
0x6: {  	_ = 	snop  }
0x7: {  	_ = 	snop  }
__scs_overlays_trampoline_lowered:
0x8: {  	[smem:$0x3FAC] =	sst s0  }
0x9: {  	[smem:$0x3FAD] =	sst s1  }
0xa: {  	[smem:$0x3FAE] =	sst s2  }
0xb: {  	[smem:$0x3FAF] =	sst s3  }
0xc: {  	[smem:$0x3FB0] =	sst s4  }
0xd: {  	[smem:$0x3FB1] =	sst s5  }
0xe: {  	[smem:$0x3FB2] =	sst s6  }
0xf: {  	[smem:$0x3FB3] =	sst s7  }
0x10: {  	[smem:$0x3FB4] =	sst s8  }
0x11: {  	[smem:$0x3FB5] =	sst s9;
	s0 =	simm.s32 @!p0 $0x0  }
0x12: {  	s1 =	sld [smem:$0x3F9B];
	s0 =	simm.s32 @p0 $0x1  }
0x13: {  	[smem:$0x3FB6] =	sst s0;
	s0 =	simm.s32 @!p1 $0x0  }
0x14: {  	s2 =	sld [smem:$0x3F9A];
	s0 =	simm.s32 @p1 $0x1  }
0x15: {  	[smem:$0x3FB7] =	sst s0;
	s0 =	simm.s32 @!p2 $0x0  }
0x16: {  	s3 =	sld [smem:$0x3FDB];
	s0 =	simm.s32 @p2 $0x1  }
0x17: {  	s4 =	simm.s32 $0x1BF5;
	[smem:$0x3FB9] =	sst s0  }
0x18: {  	s0 =	sld [smem:$0x3F9C];
	_ =	swait.ge [sflag:s4], $0x0  }
0x19: {  	s7 =	sld [smem:$0x3F9D]  }
0x1a: {  	s8 =	sadd.s32 $0xFFFFE003, lr  }
0x1b: {  	s9 =	sadd.s32 $0xFFFFFEF7, lr;
	s5 =	simm.s32 $0xFFFFFFFF;
	p2 =	slt.u32 s8, $0xFFFFF086  }
0x1c: {  	p1 =	slt.u32 s9, $0xF7A;
	s5 =	simm.s32 @!p2 $0x0  }
0x1d: {  	s5 =	simm.s32 @p1 $0x1;
	p0 =	seq.s32 s7, s2  }
0x1e: {  	s7 =	smul.u32 @!p0 $0xF7A, s2;
	p2 =	seq.s32 @!p0 s5, $0x0  }
0x1f: {  	s9 =	smul.u32 $0xF7A, s1;
	s8 =	simm.s32 @!p0 $0x1BF5;
	p2 =	por !p2, p0  }
0x20: {  	[sflag:s8] =	ssyncset.s32 @!p0 $0xFFFFF086;
	s6 =	sadd.s32 @!p0 s3, s7;
	s7 =	simm.s32 @!p0 $0x108  }
0x21: {  	s3 =	sadd.s32 s3, s9;
	s6 =	sadd.s32 @!p0 $0x88, s6;
	s7 =	simm.s32 @p2 $0x1082  }
0x22: {  	[simem:s7], [sflag:s8] =	dma.local @!p0 [hbm:s6], $0xF7A  }
0x23: {  	s9 =	sor.u32 $0xD0000000, s2;
	s6 =	simm.s32 $0x108;
	_ =	swait.ge @!p0 [sflag:s8], $0x0  }
0x24: {  	s3 =	sadd.s32 $0x88, s3;
	s6 =	simm.s32 @!p1 $0x1082;
	[sflag:s4] =	ssyncset.s32 $0xFFFFF086  }
0x25: {  	[simem:s6], [sflag:s4] =	dma.local [hbm:s3], $0xF7A  }
0x26: {  	[smem:$0x3F9D] =	sst s1;
	(tag) =	ssettag s2;
	_ =	strace s9  }
0x27: {  	s1 =	sld [smem:$0x3FAD]  }
0x28: {  	s2 =	sld [smem:$0x3FAE]  }
0x29: {  	s4 =	sld [smem:$0x3FB0]  }
0x2a: {  	p0 =	seq.s32 s5, $0x0;
	s5 =	sld [smem:$0x3FB1]  }
0x2b: {  	s6 =	sld [smem:$0x3FB2]  }
0x2c: {  	s7 =	sld [smem:$0x3FB3]  }
0x2d: {  	s3 =	simm.s32 $0x108;
	s8 =	sld [smem:$0x3FB4]  }
0x2e: {  	s3 =	simm.s32 @!p0 $0x1082;
	s9 =	sld [smem:$0x3FB5]  }
0x2f: {  	lr =	sadd.s32 s0, s3;
	s0 =	sld [smem:$0x3FAC]  }
0x30: {  	s3 =	sld [smem:$0x3FAF]  }
0x31: {  	[smem:$0x3FB8] =	sst s10  }
0x32: {  	s10 =	sld [smem:$0x3FB6];
	_ =	sdelay $0x3  }
0x33: {  	p0 =	seq.s32 s10, $0x1;
	s10 =	sld [smem:$0x3FB8];
	_ =	sdelay $0x3  }
0x34: {  	[smem:$0x3FB8] =	sst s10  }
0x35: {  	s10 =	sld [smem:$0x3FB7];
	_ =	sdelay $0x3  }
0x36: {  	p1 =	seq.s32 s10, $0x1;
	s10 =	sld [smem:$0x3FB8];
	_ =	sdelay $0x3  }
0x37: {  	[smem:$0x3FB8] =	sst s10  }
0x38: {  	s10 =	sld [smem:$0x3FB9]  }
0x39: {  	_ = 	snop;
	(pc) =	sbr.ind lr, $3  }
0x3a: {  	_ = 	snop  }
0x3b: {  	_ = 	snop  }
0x3c: {  	p2 =	seq.s32 s10, $0x1;
	s10 =	sld [smem:$0x3FB8]  }
0x3d: {  	_ =	shalt  }
0x3e: {  	_ =	shalt  }
0x3f: {  	_ =	shalt  }
0x40: {  	_ =	shalt  }
0x41: {  	_ =	shalt  }
0x42: {  	_ =	shalt  }
0x43: {  	_ =	shalt  }
0x44: {  	_ =	shalt  }
0x45: {  	_ =	shalt  }
0x46: {  	_ =	shalt  }
0x47: {  	_ =	shalt  }
0x48: {  	_ =	shalt  }
0x49: {  	_ =	shalt  }
0x4a: {  	_ =	shalt  }
0x4b: {  	_ =	shalt  }
0x4c: {  	_ =	shalt  }
0x4d: {  	_ =	shalt  }
0x4e: {  	_ =	shalt  }
0x4f: {  	_ =	shalt  }
0x50: {  	_ =	shalt  }
0x51: {  	_ =	shalt  }
0x52: {  	_ =	shalt  }
0x53: {  	_ =	shalt  }
0x54: {  	_ =	shalt  }
0x55: {  	_ =	shalt  }
0x56: {  	_ =	shalt  }
0x57: {  	_ =	shalt  }
0x58: {  	_ =	shalt  }
0x59: {  	_ =	shalt  }
0x5a: {  	_ =	shalt  }
0x5b: {  	_ =	shalt  }
0x5c: {  	_ =	shalt  }
0x5d: {  	_ =	shalt  }
0x5e: {  	_ =	shalt  }
0x5f: {  	_ =	shalt  }
0x60: {  	_ =	shalt  }
0x61: {  	_ =	shalt  }
0x62: {  	_ =	shalt  }
0x63: {  	_ =	shalt  }
0x64: {  	_ =	shalt  }
0x65: {  	_ =	shalt  }
0x66: {  	_ =	shalt  }
0x67: {  	_ =	shalt  }
0x68: {  	_ =	shalt  }
0x69: {  	_ =	shalt  }
0x6a: {  	_ =	shalt  }
0x6b: {  	_ =	shalt  }
0x6c: {  	_ =	shalt  }
0x6d: {  	_ =	shalt  }
0x6e: {  	_ =	shalt  }
0x6f: {  	_ =	shalt  }
0x70: {  	_ =	shalt  }
0x71: {  	_ =	shalt  }
0x72: {  	_ =	shalt  }
0x73: {  	_ =	shalt  }
0x74: {  	_ =	shalt  }
0x75: {  	_ =	shalt  }
0x76: {  	_ =	shalt  }
0x77: {  	_ =	shalt  }
0x78: {  	_ =	shalt  }
0x79: {  	_ =	shalt  }
0x7a: {  	_ =	shalt  }
0x7b: {  	_ =	shalt  }
0x7c: {  	_ =	shalt  }
0x7d: {  	_ =	shalt  }
0x7e: {  	_ =	shalt  }
0x7f: {  	_ =	shalt  }
0x80: {  	_ =	shalt  }
0x81: {  	_ =	shalt  }
0x82: {  	_ =	shalt  }
0x83: {  	_ =	shalt  }
0x84: {  	_ =	shalt  }
0x85: {  	_ =	shalt  }
0x86: {  	_ =	shalt  }
0x87: {  	_ =	shalt  }
.Lfunc_end0:
.L_simem_size_0:
called_computation_lowered:
.L_overlay_start_0:
0x88: {  	s2 =	sld [smem:$0x3FD9]  }
0x89: {  	s3 =	sld [smem:$0x3FFE];
	_ =	sdelay $0x1  }
0x8a: {  	s1 =	srdreg.scid  }
0x8b: {  	s0 =	sand.u32 $0x1, s1  }
0x8c: {  	s17 =	sshll.u32 s0, $0xA;
	s2 =	sadd.s32 s3, s2  }
0x8d: {  	s2 =	sadd.s32 s2, s17  }
0x8e: {  	[smem:$0x3FC4] =	sst s2  }
0x8f: {  	_ = 	snop  }
0x90: {  	s2 =	sld [smem:$0x3FD0];
	(tm) =	ssettm $0x1  }
0x91: {  	s18 =	sld [smem:$0x3FFB];
	_ =	sdelay $0x3  }
0x92: {  	_ =	strace s18  }
0x93: {  	s3 =	sld [smem:$0x3FFC];
	_ =	sdelay $0x3  }
0x94: {  	_ =	strace s3  }
0x95: {  	s3 =	sld [smem:$0x3FFD];
	_ =	sdelay $0x3  }
0x96: {  	_ =	strace s3  }
0x97: {  	_ =	strace $0x8FFFFFFF  }
0x98: {  	s19 =	sld [smem:$0x3FDB];
	_ =	sdelay $0x1  }
0x99: {  	s4 =	simm.s32 $_scs_section_size  }
0x9a: {  	s5 =	simm.s32 $_size__tile_overlayer_lowered;
	s6 =	simm.s32 $_tile_overlayer_lowered  }
0x9b: {  	s22 =	simm.s32 $0x1BFF;
	s21 =	sshll.u32 s6, $0x1;
	s3 =	sadd.s32 s4, s19  }
0x9c: {  	s7 =	simm.s32 $0x0;
	s20 =	sshll.u32 s5, $0x1;
	s5 =	sadd.s32 s21, s3  }
0x9d: {  	[timem:s7], [sflag:s22] =	dma.local [hbm:s5], s20  }
0x9e: {  	_ =	swait.ge [sflag:s22], s20  }
0x9f: {  	s4 =	ssub.s32 $0x0, s20;
	[sflag:s22] =	ssyncset.done $0x0  }
0xa0: {  	[sflag:s22] =	ssyncadd.s32 s4;
	_ =	sdelay $0x1  }
0xa1: {  	s23 =	simm.s32 $0x1B8B  }
0xa2: {  	_ =	swait.ge [sflag:s23], $0x1  }
0xa3: {  	[sflag:s23] =	ssyncset.done $0x0  }
0xa4: {  	s25 =	simm.s32 $0x1B8E;
	s24 =	sld [smem:$0x3FFE];
	[sflag:s23] =	ssyncadd.s32 $0xFFFFFFFF  }
0xa5: {  	s26 =	simm.s32 $execute0_lowered;
	[smem:$0x3FD2] =	sst s25  }
0xa6: {  	s5 =	sshll.u32 s26, $0x1;
	_ =	strace $0x80000046;
	[dreg:$0x1] =	wrdreg $0xFFFFFFFF  }
0xa7: {  	s28 =	simm.s32 $_size_execute0_lowered;
	s3 =	sadd.s32 s3, s5;
	[dreg:$0x0] =	wrdreg $0x0  }
0xa8: {  	s5 =	sshll.u32 s28, $0x1;
	[dreg:$0x2] =	wrdreg s3  }
0xa9: {  	[dreg:$0x3] =	wrdreg s5  }
0xaa: {  	[dreg:$0x4] =	wrdreg $0xC0  }
0xab: {  	_ =	task [dreg:s7], $0x5FFFF  }
0xac: {  	[dreg:$0x1] =	wrdreg $0xFFFFFFFF  }
0xad: {  	[dreg:$0x0] =	wrdreg $0x60  }
0xae: {  	[dreg:$0x2] =	wrdreg s24  }
0xaf: {  	[dreg:$0x3] =	wrdreg s2  }
0xb0: {  	[dreg:$0x4] =	wrdreg $0x9  }
0xb1: {  	_ =	task.clear_ibuf [dreg:s7], $0x5FFFF;
	_ =	strace $0x90000046  }
0xb2: {  	s29 =	simm.s32 $0x9;
	_ =	strace $0x80000048  }
0xb3: {  	_ =	swait.ge [sflag:s29], $0x1  }
0xb4: {  	[sflag:s29] =	ssyncadd.s32 $0xFFFFFFFF  }
0xb5: {  	_ =	strace $0x90000048  }
0xb6: {  	_ =	sfence  }
0xb7: {  	s30 =	sld [smem:$0x0];
	_ =	sdelay $0x2  }
0xb8: {  	s31 =	sshll.u32 s1, $0xD;
	s1 =	sshrl.u32 s1, $0x2  }
0xb9: {  	s3 =	sand.u32 $0x4000, s31;
	s1 =	sadd.s32 s1, s30  }
0xba: {  	s0 =	sor.u32 s3, s0;
	s1 =	sshll.u32 s1, $0x11  }
0xbb: {  	s0 =	sor.u32 s1, s0  }
0xbc: {  	s0 =	sadd.s32 $0x8F2B, s0  }
0xbd: {  	[sflag:s0] =	ssyncadd.remote.s32 $0x1  }
0xbe: {  	_ =	sfence.sel $0xFFFF  }
0xbf: {  	[dreg:$0x0] =	wrdreg $0xFFFFFFFF;
	(pc) =	sbr.abs _section_cstart, $3  }
0xc0: {  	[dreg:$0x1] =	wrdreg $0xFFFFFFFF  }
0xc1: {  	_ =	task.clear_ibuf [dreg:s7], $0x2FFFF;
	_ =	strace $0x9FFFFFFF  }
0xc2: {  	(tm) =	ssettm $0x7FFFFFFF  }
0xc3: {  	_ =	shalt  }
tec
execute0_lowered:
.L_overlay_start_1:
0x0: {  	(tag) =	ssettag $0x1  }
0x1: {  	s0 =	rddreg [dreg:$0x0]  }
0x2: {  	s1 =	srdreg.scid;
	s10 =	stileid.u32  }
0x3: {  	s5 =	rddreg [dreg:$0x1];
	s2 =	simm.s32 $0x0;
	s13 =	simm.s32 $0x9  }
0x4: {  	s15 =	simm.s32 $0x80;
	s16 =	simm.s32 $0x3200;
	s17 =	simm.s32 $0xB200  }
0x5: {  	s18 =	simm.s32 $0x5200;
	s28 =	simm.s32 $0x11200;
	s29 =	simm.s32 $0x3  }
0x6: {  	s30 =	simm.s32 $0x5;
	s31 =	simm.s32 $0x4;
	s1 =	sand.u32 $0x1, s1  }
0x7: {  	s3 =	sshll.u32 s10, $0x1;
	[smem:$0x7FF] =	sst s2;
	s23 =	smul.u32 $0x32000, s10  }
0x8: {  	s3 =	sor.u32 s1, s3;
	s6 =	ssub.s32 $0x2, s1;
	s1 =	smul.u32 $0x19000, s1  }
0x9: {  	s19 =	simm.s32 $0x8;
	_ =	strace $0x80000047;
	s4 =	smul.u32 $0x320, s3  }
0xa: {  	s8 =	sshrl.u32 s6, $0x1;
	s9 =	smul.u32 $0xC8000, s3;
	s3 =	sadd.s32 $0xF42E00, s0  }
0xb: {  	s20 =	ssub.s32 s6, s8;
	s7 =	sadd.s32 s4, s0;
	s4 =	sadd.s32 $0xA00, s0  }
0xc: {  	s22 =	sshrl.u32 s9, $0x3;
	s11 =	smax.u32 s20, $0x1;
	s20 =	simm.s32 $0xD200  }
0xd: {  	s0 =	simm.s32 $0x7;
	s21 =	sadd.s32 $0xCA400, s7;
	s7 =	sadd.s32 $0xC4000, s7  }
0xe: {  	s6 =	sadd.s32 s5, s22;
	s5 =	sadd.s32 s23, s5;
	[dreg:$0x3] =	wrdreg s21  }
0xf: {  	s22 =	simm.s32 $0x40;
	s23 =	simm.s32 $0x7200;
	[dreg:$0x4] =	wrdreg s7  }
0x10: {  	s24 =	sadd.s32 $0x18000, s6;
	s25 =	sadd.s32 $0x18008, s6;
	s26 =	sadd.s32 $0x18800, s6  }
0x11: {  	s10 =	sadd.s32 $0x18808, s6;
	s1 =	sadd.s32 s1, s5;
	[dreg:$0x5] =	wrdreg s24  }
0x12: {  	s21 =	simm.s32 $0x1;
	s5 =	simm.s32 $0x0;
	[dreg:$0x6] =	wrdreg s25  }
0x13: {  	[dreg:$0x7] =	wrdreg s26;
	s7 =	sadd.s32 $0x1808, s1;
	s24 =	simm.s32 $0xF200  }
0x14: {  	s25 =	simm.s32 $0x2;
	s26 =	simm.s32 $0x9200;
	s1 =	simm.s32 $0x6  }
.LBB2_1:
0x15: {  	s6 =	rddreg [dreg:$0x3]  }
0x16: {  	[tilespmem:s2], [sflag:$0x9] =	stream.linear.gather [hbm4b:s6+s2], $0x1900, $0x38;
	[tilespmem:$0x13200] =	vst v63  }
0x17: {  	_ =	swait.ge [sflag:s13], $0x1900  }
0x18: {  	[sflag:s13] =	ssyncset.done $0x0  }
0x19: {  	s8 =	simm.s32 $0x1900;
	s14 =	rddreg [dreg:$0x4];
	[sflag:s13] =	ssyncadd.s32 $0xFFFFE700  }
0x1a: {  	[tilespmem:s8], [sflag:$0x9] =	stream.linear.gather [hbm4b:s14+s2], $0x1900, $0x38;
	[tilespmem:$0x13200] =	vst v63  }
0x1b: {  	_ =	swait.ge [sflag:s13], $0x1900  }
0x1c: {  	[sflag:s13] =	ssyncset.done $0x0  }
0x1d: {  	[sflag:s13] =	ssyncadd.s32 $0xFFFFE700  }
0x1e: {  	[tilespmem:s16], [sflag:$0x1] =	stream.indirect.gather [hbm4b:s3+s15], $0x40, s2, s15, $0xb8;
	[tilespmem:$0x13200] =	vst v63  }
0x1f: {  	_ = 	snop  }
0x20: {  	[tilespmem:s17], [sflag:$0x1] =	stream.indirect.gather [hbm4b:s4+s15], $0x40, s8, s15, $0xb8;
	[tilespmem:$0x13200] =	vst v63  }
0x21: {  	_ = 	snop  }
0x22: {  	[tilespmem:s18], [sflag:$0x2] =	stream.indirect.gather [hbm4b:s3+s15], $0x40, s15, s15, $0xb8;
	[tilespmem:$0x13200] =	vst v63  }
0x23: {  	s8 =	simm.s32 $0x1980  }
0x24: {  	[tilespmem:s20], [sflag:$0x2] =	stream.indirect.gather [hbm4b:s4+s15], $0x40, s8, s15, $0xb8;
	[tilespmem:$0x13200] =	vst v63  }
0x25: {  	_ =	swait.ge [sflag:s21], $0x2000  }
0x26: {  	[sflag:s21] =	ssyncset.done $0x0  }
0x27: {  	[sflag:s21] =	ssyncadd.s32 $0xFFFFE000  }
0x28: {  	_ =	swait.ge [sflag:s21], $0x2000  }
0x29: {  	[sflag:s21] =	ssyncset.done $0x0  }
0x2a: {  	s9 =	sadd.s32 $0xFFFFE7F8, s7;
	p0 =	por $0x1, $0x1;
	[sflag:s21] =	ssyncadd.s32 $0xFFFFE000  }
0x2b: {  	[hbm4b:s9+s22] =	stream.strided.scatter [tilespmem:s16], [sflag:$0x5], $0x2000, s15, s22, $0x38;
	[tilespmem:$0x13200] =	vst v63  }
0x2c: {  	s12 =	sadd.s32 $0xFFFFE800, s7;
	s6 =	simm.s32 @!p0 $0x7  }
0x2d: {  	[hbm4b:s12+s22] =	stream.strided.scatter [tilespmem:s17], [sflag:$0x5], $0x2000, s15, s22, $0x38;
	[tilespmem:$0x13200] =	vst v63  }
0x2e: {  	_ =	swait.ge @!p0 [sflag:s6], $0x2000  }
0x2f: {  	[sflag:s6] =	ssyncset.done @!p0 $0x0  }
0x30: {  	[sflag:s6] =	ssyncadd.s32 @!p0 $0xFFFFE000  }
0x31: {  	_ =	swait.ge @!p0 [sflag:s6], $0x2000  }
0x32: {  	[sflag:s6] =	ssyncset.done @!p0 $0x0  }
0x33: {  	s14 =	simm.s32 $0x100;
	[sflag:s6] =	ssyncadd.s32 @!p0 $0xFFFFE000  }
0x34: {  	[tilespmem:s23], [sflag:$0x3] =	stream.indirect.gather [hbm4b:s3+s15], $0x40, s14, s15, $0xb8;
	[tilespmem:$0x13200] =	vst v63  }
0x35: {  	s8 =	simm.s32 $0x1A00  }
0x36: {  	[tilespmem:s24], [sflag:$0x3] =	stream.indirect.gather [hbm4b:s4+s15], $0x40, s8, s15, $0xb8;
	[tilespmem:$0x13200] =	vst v63  }
0x37: {  	_ =	swait.ge [sflag:s25], $0x2000  }
0x38: {  	[sflag:s25] =	ssyncset.done $0x0  }
0x39: {  	[sflag:s25] =	ssyncadd.s32 $0xFFFFE000  }
0x3a: {  	_ =	swait.ge [sflag:s25], $0x2000  }
0x3b: {  	[sflag:s25] =	ssyncset.done $0x0  }
0x3c: {  	s9 =	sadd.s32 $0xFFFFEFF8, s7;
	[sflag:s25] =	ssyncadd.s32 $0xFFFFE000  }
0x3d: {  	[hbm4b:s9+s22] =	stream.strided.scatter [tilespmem:s18], [sflag:$0x6], $0x2000, s15, s22, $0x38;
	[tilespmem:$0x13200] =	vst v63  }
0x3e: {  	s12 =	sadd.s32 $0xFFFFF000, s7;
	s8 =	simm.s32 @!p0 $0x8  }
0x3f: {  	[hbm4b:s12+s22] =	stream.strided.scatter [tilespmem:s20], [sflag:$0x6], $0x2000, s15, s22, $0x38;
	[tilespmem:$0x13200] =	vst v63  }
0x40: {  	_ =	swait.ge @!p0 [sflag:s8], $0x2000  }
0x41: {  	[sflag:s8] =	ssyncset.done @!p0 $0x0  }
0x42: {  	[sflag:s8] =	ssyncadd.s32 @!p0 $0xFFFFE000  }
0x43: {  	_ =	swait.ge @!p0 [sflag:s8], $0x2000  }
0x44: {  	[sflag:s8] =	ssyncset.done @!p0 $0x0  }
0x45: {  	s14 =	simm.s32 $0x180;
	[sflag:s8] =	ssyncadd.s32 @!p0 $0xFFFFE000  }
0x46: {  	[tilespmem:s26], [sflag:$0x4] =	stream.indirect.gather [hbm4b:s3+s15], $0x40, s14, s15, $0xb8;
	[tilespmem:$0x13200] =	vst v63  }
0x47: {  	s9 =	simm.s32 $0x1A80  }
0x48: {  	[tilespmem:s28], [sflag:$0x4] =	stream.indirect.gather [hbm4b:s4+s15], $0x40, s9, s15, $0xb8;
	[tilespmem:$0x13200] =	vst v63  }
0x49: {  	_ =	swait.ge [sflag:s29], $0x2000  }
0x4a: {  	[sflag:s29] =	ssyncset.done $0x0  }
0x4b: {  	[sflag:s29] =	ssyncadd.s32 $0xFFFFE000  }
0x4c: {  	_ =	swait.ge [sflag:s29], $0x2000  }
0x4d: {  	[sflag:s29] =	ssyncset.done $0x0  }
0x4e: {  	s12 =	sadd.s32 $0xFFFFF7F8, s7;
	[sflag:s29] =	ssyncadd.s32 $0xFFFFE000  }
0x4f: {  	[hbm4b:s12+s22] =	stream.strided.scatter [tilespmem:s23], [sflag:$0x7], $0x2000, s15, s22, $0x38;
	[tilespmem:$0x13200] =	vst v63  }
0x50: {  	s14 =	sadd.s32 $0xFFFFF800, s7  }
0x51: {  	[hbm4b:s14+s22] =	stream.strided.scatter [tilespmem:s24], [sflag:$0x7], $0x2000, s15, s22, $0x38;
	[tilespmem:$0x13200] =	vst v63  }
0x52: {  	_ =	swait.ge [sflag:s30], $0x2000  }
0x53: {  	[sflag:s30] =	ssyncset.done $0x0  }
0x54: {  	[sflag:s30] =	ssyncadd.s32 $0xFFFFE000  }
0x55: {  	_ =	swait.ge [sflag:s30], $0x2000  }
0x56: {  	[sflag:s30] =	ssyncset.done $0x0  }
0x57: {  	s8 =	simm.s32 $0x200;
	[sflag:s30] =	ssyncadd.s32 $0xFFFFE000  }
0x58: {  	[tilespmem:s16], [sflag:$0x1] =	stream.indirect.gather [hbm4b:s3+s15], $0x40, s8, s15, $0xb8;
	[tilespmem:$0x13200] =	vst v63  }
0x59: {  	s9 =	simm.s32 $0x1B00  }
0x5a: {  	[tilespmem:s17], [sflag:$0x1] =	stream.indirect.gather [hbm4b:s4+s15], $0x40, s9, s15, $0xb8;
	[tilespmem:$0x13200] =	vst v63  }
0x5b: {  	_ =	swait.ge [sflag:s31], $0x2000  }
0x5c: {  	[sflag:s31] =	ssyncset.done $0x0  }
0x5d: {  	[sflag:s31] =	ssyncadd.s32 $0xFFFFE000  }
0x5e: {  	_ =	swait.ge [sflag:s31], $0x2000  }
0x5f: {  	[sflag:s31] =	ssyncset.done $0x0  }
0x60: {  	s12 =	sadd.s32 $0xFFFFFFF8, s7;
	[sflag:s31] =	ssyncadd.s32 $0xFFFFE000  }
0x61: {  	[hbm4b:s12+s22] =	stream.strided.scatter [tilespmem:s26], [sflag:$0x8], $0x2000, s15, s22, $0x38;
	[tilespmem:$0x13200] =	vst v63  }
0x62: {  	_ = 	snop  }
0x63: {  	[hbm4b:s7+s22] =	stream.strided.scatter [tilespmem:s28], [sflag:$0x8], $0x2000, s15, s22, $0x38;
	[tilespmem:$0x13200] =	vst v63  }
0x64: {  	_ =	swait.ge [sflag:s1], $0x2000  }
0x65: {  	[sflag:s1] =	ssyncset.done $0x0  }
0x66: {  	[sflag:s1] =	ssyncadd.s32 $0xFFFFE000  }
0x67: {  	_ =	swait.ge [sflag:s1], $0x2000  }
0x68: {  	s6 =	simm.s32 $0x800;
	s14 =	simm.s32 $0x280;
	[sflag:s1] =	ssyncset.done $0x0  }
0x69: {  	s8 =	simm.s32 $0x1B80;
	s12 =	smov.u32 s7;
	[sflag:s1] =	ssyncadd.s32 $0xFFFFE000  }
0x6a: {  	[tilespmem:s18], [sflag:$0x2] =	stream.indirect.gather [hbm4b:s3+s15], $0x40, s14, s15, $0xb8;
	[tilespmem:$0x13200] =	vst v63  }
.LBB2_2:
0x6b: {  	s12 =	sadd.s32 $0x2000, s12;
	s9 =	smov.u32 s6;
	s6 =	sadd.s32 $0x800, s6  }
0x6c: {  	[tilespmem:s20], [sflag:$0x2] =	stream.indirect.gather [hbm4b:s4+s15], $0x40, s8, s15, $0xb8;
	[tilespmem:$0x13200] =	vst v63  }
0x6d: {  	p0 =	sne.s32 s6, $0x6000;
	_ =	swait.ge [sflag:s21], $0x2000  }
0x6e: {  	[sflag:s21] =	ssyncset.done $0x0  }
0x6f: {  	[sflag:s21] =	ssyncadd.s32 $0xFFFFE000  }
0x70: {  	_ =	swait.ge [sflag:s21], $0x2000  }
0x71: {  	[sflag:s21] =	ssyncset.done $0x0  }
0x72: {  	s8 =	sadd.s32 $0xFFFFE7F8, s12;
	[sflag:s21] =	ssyncadd.s32 $0xFFFFE000  }
0x73: {  	[hbm4b:s8+s22] =	stream.strided.scatter [tilespmem:s16], [sflag:$0x5], $0x2000, s15, s22, $0x38;
	[tilespmem:$0x13200] =	vst v63  }
0x74: {  	p1 =	seq.s32 s9, $0x0;
	s8 =	sadd.s32 $0xFFFFE800, s12  }
0x75: {  	[hbm4b:s8+s22] =	stream.strided.scatter [tilespmem:s17], [sflag:$0x5], $0x2000, s15, s22, $0x38;
	[tilespmem:$0x13200] =	vst v63  }
0x76: {  	s14 =	simm.s32 @!p1 $0x7  }
0x77: {  	_ =	swait.ge @!p1 [sflag:s14], $0x2000  }
0x78: {  	[sflag:s14] =	ssyncset.done @!p1 $0x0  }
0x79: {  	[sflag:s14] =	ssyncadd.s32 @!p1 $0xFFFFE000  }
0x7a: {  	s8 =	sshra.s32 s9, $0x2;
	_ =	swait.ge @!p1 [sflag:s14], $0x2000  }
0x7b: {  	s9 =	sadd.s32 $0x100, s8;
	[sflag:s14] =	ssyncset.done @!p1 $0x0  }
0x7c: {  	[sflag:s14] =	ssyncadd.s32 @!p1 $0xFFFFE000;
	s14 =	sadd.s32 $0x1A00, s8  }
0x7d: {  	[tilespmem:s23], [sflag:$0x3] =	stream.indirect.gather [hbm4b:s3+s15], $0x40, s9, s15, $0xb8;
	[tilespmem:$0x13200] =	vst v63  }
0x7e: {  	_ = 	snop  }
0x7f: {  	[tilespmem:s24], [sflag:$0x3] =	stream.indirect.gather [hbm4b:s4+s15], $0x40, s14, s15, $0xb8;
	[tilespmem:$0x13200] =	vst v63  }
0x80: {  	_ =	swait.ge [sflag:s25], $0x2000  }
0x81: {  	[sflag:s25] =	ssyncset.done $0x0  }
0x82: {  	[sflag:s25] =	ssyncadd.s32 $0xFFFFE000  }
0x83: {  	_ =	swait.ge [sflag:s25], $0x2000  }
0x84: {  	s9 =	sadd.s32 $0xFFFFEFF8, s12;
	[sflag:s25] =	ssyncset.done $0x0  }
0x85: {  	s14 =	sadd.s32 $0xFFFFF000, s12;
	[sflag:s25] =	ssyncadd.s32 $0xFFFFE000  }
0x86: {  	[hbm4b:s9+s22] =	stream.strided.scatter [tilespmem:s18], [sflag:$0x6], $0x2000, s15, s22, $0x38;
	[tilespmem:$0x13200] =	vst v63  }
0x87: {  	s9 =	simm.s32 @!p1 $0x8  }
0x88: {  	[hbm4b:s14+s22] =	stream.strided.scatter [tilespmem:s20], [sflag:$0x6], $0x2000, s15, s22, $0x38;
	[tilespmem:$0x13200] =	vst v63  }
0x89: {  	_ =	swait.ge @!p1 [sflag:s9], $0x2000  }
0x8a: {  	[sflag:s9] =	ssyncset.done @!p1 $0x0  }
0x8b: {  	[sflag:s9] =	ssyncadd.s32 @!p1 $0xFFFFE000  }
0x8c: {  	_ =	swait.ge @!p1 [sflag:s9], $0x2000  }
0x8d: {  	s14 =	sadd.s32 $0x180, s8;
	[sflag:s9] =	ssyncset.done @!p1 $0x0  }
0x8e: {  	[sflag:s9] =	ssyncadd.s32 @!p1 $0xFFFFE000;
	s9 =	sadd.s32 $0x1A80, s8  }
0x8f: {  	[tilespmem:s26], [sflag:$0x4] =	stream.indirect.gather [hbm4b:s3+s15], $0x40, s14, s15, $0xb8;
	[tilespmem:$0x13200] =	vst v63  }
0x90: {  	_ = 	snop  }
0x91: {  	[tilespmem:s28], [sflag:$0x4] =	stream.indirect.gather [hbm4b:s4+s15], $0x40, s9, s15, $0xb8;
	[tilespmem:$0x13200] =	vst v63  }
0x92: {  	_ =	swait.ge [sflag:s29], $0x2000  }
0x93: {  	[sflag:s29] =	ssyncset.done $0x0  }
0x94: {  	[sflag:s29] =	ssyncadd.s32 $0xFFFFE000  }
0x95: {  	_ =	swait.ge [sflag:s29], $0x2000  }
0x96: {  	s9 =	sadd.s32 $0xFFFFF7F8, s12;
	[sflag:s29] =	ssyncset.done $0x0  }
0x97: {  	s14 =	sadd.s32 $0xFFFFF800, s12;
	[sflag:s29] =	ssyncadd.s32 $0xFFFFE000  }
0x98: {  	[hbm4b:s9+s22] =	stream.strided.scatter [tilespmem:s23], [sflag:$0x7], $0x2000, s15, s22, $0x38;
	[tilespmem:$0x13200] =	vst v63  }
0x99: {  	_ = 	snop  }
0x9a: {  	[hbm4b:s14+s22] =	stream.strided.scatter [tilespmem:s24], [sflag:$0x7], $0x2000, s15, s22, $0x38;
	[tilespmem:$0x13200] =	vst v63  }
0x9b: {  	_ =	swait.ge [sflag:s30], $0x2000  }
0x9c: {  	[sflag:s30] =	ssyncset.done $0x0  }
0x9d: {  	[sflag:s30] =	ssyncadd.s32 $0xFFFFE000  }
0x9e: {  	_ =	swait.ge [sflag:s30], $0x2000  }
0x9f: {  	s9 =	sadd.s32 $0x200, s8;
	[sflag:s30] =	ssyncset.done $0x0  }
0xa0: {  	s14 =	sadd.s32 $0x1B00, s8;
	[sflag:s30] =	ssyncadd.s32 $0xFFFFE000  }
0xa1: {  	[tilespmem:s16], [sflag:$0x1] =	stream.indirect.gather [hbm4b:s3+s15], $0x40, s9, s15, $0xb8;
	[tilespmem:$0x13200] =	vst v63  }
0xa2: {  	_ = 	snop  }
0xa3: {  	[tilespmem:s17], [sflag:$0x1] =	stream.indirect.gather [hbm4b:s4+s15], $0x40, s14, s15, $0xb8;
	[tilespmem:$0x13200] =	vst v63  }
0xa4: {  	_ =	swait.ge [sflag:s31], $0x2000  }
0xa5: {  	[sflag:s31] =	ssyncset.done $0x0  }
0xa6: {  	[sflag:s31] =	ssyncadd.s32 $0xFFFFE000  }
0xa7: {  	_ =	swait.ge [sflag:s31], $0x2000  }
0xa8: {  	s9 =	sadd.s32 $0xFFFFFFF8, s12;
	[sflag:s31] =	ssyncset.done $0x0  }
0xa9: {  	[sflag:s31] =	ssyncadd.s32 $0xFFFFE000  }
0xaa: {  	[hbm4b:s9+s22] =	stream.strided.scatter [tilespmem:s26], [sflag:$0x8], $0x2000, s15, s22, $0x38;
	[tilespmem:$0x13200] =	vst v63  }
0xab: {  	_ = 	snop  }
0xac: {  	[hbm4b:s12+s22] =	stream.strided.scatter [tilespmem:s28], [sflag:$0x8], $0x2000, s15, s22, $0x38;
	[tilespmem:$0x13200] =	vst v63  }
0xad: {  	_ =	swait.ge [sflag:s1], $0x2000  }
0xae: {  	[sflag:s1] =	ssyncset.done $0x0  }
.Ltmp0:
0xaf: {  	[sflag:s1] =	ssyncadd.s32 $0xFFFFE000;
	(pc) =	sbr.rel @p0 .LBB2_2-.Ltmp0, $4  }
0xb0: {  	_ =	swait.ge [sflag:s1], $0x2000  }
0xb1: {  	s9 =	sadd.s32 $0x280, s8;
	[sflag:s1] =	ssyncset.done $0x0  }
0xb2: {  	s8 =	sadd.s32 $0x1B80, s8;
	[sflag:s1] =	ssyncadd.s32 $0xFFFFE000  }
0xb3: {  	[tilespmem:s18], [sflag:$0x2] =	stream.indirect.gather [hbm4b:s3+s15], $0x40, s9, s15, $0xb8;
	[tilespmem:$0x13200] =	vst v63  }
0xb4: {  	[tilespmem:s20], [sflag:$0x2] =	stream.indirect.gather [hbm4b:s4+s15], $0x40, s8, s15, $0xb8;
	[tilespmem:$0x13200] =	vst v63  }
0xb5: {  	_ =	swait.ge [sflag:s21], $0x2000  }
0xb6: {  	[sflag:s21] =	ssyncset.done $0x0  }
0xb7: {  	[sflag:s21] =	ssyncadd.s32 $0xFFFFE000  }
0xb8: {  	_ =	swait.ge [sflag:s21], $0x2000  }
0xb9: {  	[sflag:s21] =	ssyncset.done $0x0  }
0xba: {  	s6 =	rddreg [dreg:$0x5];
	[sflag:s21] =	ssyncadd.s32 $0xFFFFE000  }
0xbb: {  	[hbm4b:s6+s22] =	stream.strided.scatter [tilespmem:s16], [sflag:$0x5], $0x2000, s15, s22, $0x38;
	[tilespmem:$0x13200] =	vst v63  }
0xbc: {  	s12 =	rddreg [dreg:$0x6]  }
0xbd: {  	[hbm4b:s12+s22] =	stream.strided.scatter [tilespmem:s17], [sflag:$0x5], $0x2000, s15, s22, $0x38;
	[tilespmem:$0x13200] =	vst v63  }
0xbe: {  	_ =	swait.ge [sflag:s25], $0x2000  }
0xbf: {  	[sflag:s25] =	ssyncset.done $0x0  }
0xc0: {  	[sflag:s25] =	ssyncadd.s32 $0xFFFFE000  }
0xc1: {  	_ =	swait.ge [sflag:s25], $0x2000  }
0xc2: {  	[sflag:s25] =	ssyncset.done $0x0  }
0xc3: {  	s14 =	rddreg [dreg:$0x7];
	[sflag:s25] =	ssyncadd.s32 $0xFFFFE000  }
0xc4: {  	[hbm4b:s14+s22] =	stream.strided.scatter [tilespmem:s18], [sflag:$0x6], $0x2000, s15, s22, $0x38;
	[tilespmem:$0x13200] =	vst v63  }
0xc5: {  	_ = 	snop  }
0xc6: {  	[hbm4b:s10+s22] =	stream.strided.scatter [tilespmem:s20], [sflag:$0x6], $0x2000, s15, s22, $0x38;
	[tilespmem:$0x13200] =	vst v63  }
0xc7: {  	_ =	swait.ge [sflag:s30], $0x2000  }
0xc8: {  	[sflag:s30] =	ssyncset.done $0x0  }
0xc9: {  	[sflag:s30] =	ssyncadd.s32 $0xFFFFE000  }
0xca: {  	_ =	swait.ge [sflag:s30], $0x2000  }
0xcb: {  	[sflag:s30] =	ssyncset.done $0x0  }
0xcc: {  	[sflag:s30] =	ssyncadd.s32 $0xFFFFE000  }
0xcd: {  	_ =	swait.ge [sflag:s1], $0x2000  }
0xce: {  	[sflag:s1] =	ssyncset.done $0x0  }
0xcf: {  	[sflag:s1] =	ssyncadd.s32 $0xFFFFE000  }
0xd0: {  	_ =	swait.ge [sflag:s1], $0x2000  }
0xd1: {  	[sflag:s1] =	ssyncset.done $0x0  }
0xd2: {  	[sflag:s1] =	ssyncadd.s32 $0xFFFFE000  }
0xd3: {  	_ =	swait.ge [sflag:s0], $0x2000  }
0xd4: {  	[sflag:s0] =	ssyncset.done $0x0  }
0xd5: {  	[sflag:s0] =	ssyncadd.s32 $0xFFFFE000  }
0xd6: {  	_ =	swait.ge [sflag:s0], $0x2000  }
0xd7: {  	[sflag:s0] =	ssyncset.done $0x0  }
0xd8: {  	s5 =	sadd.s32 $0x1, s5;
	[sflag:s0] =	ssyncadd.s32 $0xFFFFE000  }
0xd9: {  	p0 =	sne.s32 s5, s11;
	_ =	swait.ge [sflag:s19], $0x2000  }
.Ltmp1:
0xda: {  	[sflag:s19] =	ssyncset.done $0x0;
	(pc) =	sbr.rel @p0 .LBB2_1-.Ltmp1, $4  }
0xdb: {  	[sflag:s19] =	ssyncadd.s32 $0xFFFFE000  }
0xdc: {  	_ =	swait.ge [sflag:s19], $0x2000  }
0xdd: {  	[sflag:s19] =	ssyncset.done $0x0  }
0xde: {  	[sflag:s19] =	ssyncadd.s32 $0xFFFFE000  }
0xdf: {  	_ =	sfence.sel $0x180000  }
0xe0: {  	[bflag:$0x0] =	sbarrier.arrive $0xFFFF  }
0xe1: {  	_ =	strace $0x90000047  }
0xe2: {  	s0 =	stileid.u32;
	[bflag:$0x2] =	sbarrier.arrive $0xFFFF  }
0xe3: {  	p0 =	sne.s32 s0, $0x0;
	s0 =	rddreg [dreg:$0x2]  }
0xe4: {  	s0 =	sadd.s32 @!p0 $0x100000, s0  }
0xe5: {  	[sflag:s0] =	ssyncadd.tile.s32 @!p0 $0x1;
	_ =	shalt  }
.Lfunc_end2:
_tile_overlayer_lowered:
.L_overlay_start_2:
0xe6: {  	(tag) =	ssettag $0x2  }
0xe7: {  	s0 =	rddreg [dreg:$0x0];
	s2 =	stileid.u32  }
0xe8: {  	s1 =	rddreg [dreg:$0x1];
	p0 =	sne.s32 s2, $0x0  }
0xe9: {  	s3 =	rddreg [dreg:$0x2];
	[bflag:$0x3] =	sbarrier.arrive $0xFFFF;
	s2 =	simm.s32 @!p0 $0x1C09  }
0xea: {  	[timem:s3], [sflag:s2] =	dma.local @!p0 [hbm:s0], s1  }
0xeb: {  	s0 =	simm.s32 @!p0 $0x9  }
0xec: {  	_ =	swait.ge @!p0 [sflag:s0], s1  }
0xed: {  	s1 =	ssub.s32 @!p0 $0x0, s1;
	[sflag:s0] =	ssyncset.done @!p0 $0x0  }
0xee: {  	[sflag:s0] =	ssyncadd.s32 @!p0 s1  }
0xef: {  	[bflag:$0x3] =	sbarrier.arrive $0xFFFF  }
0xf0: {  	_ =	shalt  }

</sc_bundles>
